<compile_context>
chip_gen: v7x
topology: tpu7x:2x2x1
jax: 0.10.2.dev20260603
libtpu: 0.0.44.dev20260713+nightly
codegen_flags: <defaults>
</compile_context>

<pallas_src>
import functools

import jax
import jax.numpy as jnp
from jax import lax
from jax.experimental import pallas as pl
from jax.experimental.pallas import tpu as pltpu
from jax.experimental.pallas import tpu_sc as plsc

NUM_TIMESTEPS = 1000
BETA_START = 0.0001
BETA_END = 0.02

_NC = 2
_NS = 16
_NW = _NC * _NS
_B = 1024
_F = 16384
_BPW = _B // _NW
_TPAD = 1024
_LANES = 16


def _tables():
    betas = jnp.linspace(BETA_START, BETA_END, NUM_TIMESTEPS, dtype=jnp.float32)
    alphas_cumprod = jnp.cumprod(1.0 - betas, axis=0)
    sac = jnp.sqrt(alphas_cumprod)
    somac = jnp.sqrt(1.0 - alphas_cumprod)
    pad = _TPAD - NUM_TIMESTEPS
    return jnp.pad(sac, (0, pad)), jnp.pad(somac, (0, pad))


@functools.partial(
    pl.kernel,
    out_type=jax.ShapeDtypeStruct((_B, _F), jnp.float32),
    mesh=plsc.VectorSubcoreMesh(
        core_axis_name="c", subcore_axis_name="s",
        num_cores=_NC, num_subcores=_NS),
    compiler_params=pltpu.CompilerParams(needs_layout_passes=False),
    scratch_types=[
        pltpu.VMEM((_BPW,), jnp.int32),
        pltpu.VMEM((_TPAD,), jnp.float32),
        pltpu.VMEM((_TPAD,), jnp.float32),
        pltpu.VMEM((_BPW + 16,), jnp.float32),
        pltpu.VMEM((_BPW + 16,), jnp.float32),
        pltpu.VMEM((_F,), jnp.float32),
        pltpu.VMEM((_F,), jnp.float32),
        pltpu.VMEM((_F,), jnp.float32),
        pltpu.VMEM((_F,), jnp.float32),
        pltpu.VMEM((_F,), jnp.float32),
        pltpu.VMEM((_F,), jnp.float32),
        pltpu.SemaphoreType.DMA,
        pltpu.SemaphoreType.DMA,
        pltpu.SemaphoreType.DMA,
        pltpu.SemaphoreType.DMA,
        pltpu.SemaphoreType.DMA,
        pltpu.SemaphoreType.DMA,
    ],
)
def _sc_q_sample(t_hbm, sac_hbm, somac_hbm, x_hbm, n_hbm, o_hbm,
                 t_v, sac_v, somac_v, a_v, c_v,
                 xb0, xb1, nb0, nb1, ob0, ob1,
                 xs0, xs1, ns0, ns1, os0, os1):
    wid = lax.axis_index("s") * _NC + lax.axis_index("c")
    base = wid * _BPW

    xbufs = (xb0, xb1)
    nbufs = (nb0, nb1)
    obufs = (ob0, ob1)
    xsems = (xs0, xs1)
    nsems = (ns0, ns1)
    osems = (os0, os1)

    def in_copies(r, s):
        cx = pltpu.make_async_copy(x_hbm.at[base + r], xbufs[s], xsems[s])
        cn = pltpu.make_async_copy(n_hbm.at[base + r], nbufs[s], nsems[s])
        return cx, cn

    def out_copy(r, s):
        return pltpu.make_async_copy(obufs[s], o_hbm.at[base + r], osems[s])

    pltpu.sync_copy(t_hbm.at[pl.ds(base, _BPW)], t_v)
    pltpu.sync_copy(sac_hbm, sac_v)
    pltpu.sync_copy(somac_hbm, somac_v)

    for s in (0, 1):
        cx, cn = in_copies(s, s)
        cx.start()
        cn.start()

    for j in range(_BPW // _LANES):
        idx = t_v[pl.ds(j * _LANES, _LANES)]
        a_v[pl.ds(16 + j * _LANES, _LANES)] = plsc.load_gather(sac_v, [idx])
        c_v[pl.ds(16 + j * _LANES, _LANES)] = plsc.load_gather(somac_v, [idx])

    def row_compute(r, s):
        rvec = jnp.full((_LANES,), 16, jnp.int32) + r
        a16 = plsc.load_gather(a_v, [rvec])
        c16 = plsc.load_gather(c_v, [rvec])
        xb, nb, ob = xbufs[s], nbufs[s], obufs[s]

        def body(k, carry):
            for u in range(8):
                off = (k * 8 + u) * _LANES
                sl = pl.ds(off, _LANES)
                ob[sl] = a16 * xb[sl] + c16 * nb[sl]
            return carry

        lax.fori_loop(0, _F // (8 * _LANES), body, 0)

    def do_row(r, s, first, last):
        cx, cn = in_copies(r, s)
        cx.wait()
        cn.wait()
        if not first:
            out_copy(r - 2, s).wait()
        row_compute(r, s)
        out_copy(r, s).start()
        if not last:
            cx, cn = in_copies(r + 2, s)
            cx.start()
            cn.start()

    tz = wid * 0
    do_row(tz + 0, 0, True, False)
    do_row(tz + 1, 1, True, False)

    def pair(i, carry):
        r = 2 + i * 2
        do_row(r, 0, False, False)
        do_row(r + 1, 1, False, False)
        return carry

    lax.fori_loop(0, (_BPW - 4) // 2, pair, 0)

    do_row(tz + _BPW - 2, 0, False, True)
    do_row(tz + _BPW - 1, 1, False, True)

    out_copy(_BPW - 2, 0).wait()
    out_copy(_BPW - 1, 1).wait()


def kernel(x_start, t, noise):
    B = x_start.shape[0]
    x = x_start.reshape(B, _F)
    n = noise.reshape(B, _F)
    sac, somac = _tables()
    t32 = t.astype(jnp.int32)
    out = _sc_q_sample(t32, sac, somac, x, n)
    return out.reshape(x_start.shape)

# --- scband reference (transcript-rebuilt; emitter-appended) ---
"""Pipeline reference for scband-diffusion-scheduler-40939628265500 (READ-ONLY COPY).

The authoritative reference and input builder live on the scoring server;
editing this copy changes nothing except your own understanding.
"""

import jax, jax.numpy as jnp
import numpy as np

NUM_TIMESTEPS = 1000
BETA_START = 0.0001
BETA_END = 0.02


def setup_inputs(seed: int = 0) -> dict:
    key = jax.random.key(seed)
    k1, k2, k3 = jax.random.split(key, 3)
    x_start = jax.random.normal(k1, (1024, 4, 64, 64), dtype=jnp.float32)
    t = jax.random.randint(k2, (1024,), 0, NUM_TIMESTEPS, dtype=jnp.int64)
    noise = jax.random.normal(k3, (1024, 4, 64, 64), dtype=jnp.float32)
    return {"x_start": x_start, "t": t, "noise": noise}


def reference(x_start, t, noise):
    # Recreate scheduler buffers exactly as in __init__
    betas = jnp.linspace(BETA_START, BETA_END, NUM_TIMESTEPS, dtype=jnp.float32)
    alphas = 1.0 - betas
    alphas_cumprod = jnp.cumprod(alphas, axis=0)
    sqrt_alphas_cumprod = jnp.sqrt(alphas_cumprod)
    sqrt_one_minus_alphas_cumprod = jnp.sqrt(1.0 - alphas_cumprod)
    # q_sample: gather per-timestep coefficients, broadcast over [B,1,1,1]
    sac_t = jnp.take(sqrt_alphas_cumprod, t, axis=0).reshape(-1, 1, 1, 1)
    somac_t = jnp.take(sqrt_one_minus_alphas_cumprod, t, axis=0).reshape(-1, 1, 1, 1)
    return sac_t * x_start + somac_t * noise

if __name__ == "__main__":
    import jax
    _d = setup_inputs()
    print(jax.jit(kernel)(*tuple(_d.values())))

</pallas_src>

<mosaic_0001>
#map = affine_map<(d0, d1) -> (0)>
#map1 = affine_map<(d0, d1) -> (0, 0)>
module attributes {stable_mosaic.version = 14 : i64} {
  func.func @_sc_q_sample(%arg0: i32, %arg1: i32, %arg2: memref<1024xi32, #tpu.memory_space<hbm>>, %arg3: memref<1024xf32, #tpu.memory_space<hbm>>, %arg4: memref<1024xf32, #tpu.memory_space<hbm>>, %arg5: memref<1024x16384xf32, #tpu.memory_space<hbm>>, %arg6: memref<1024x16384xf32, #tpu.memory_space<hbm>>, %arg7: memref<1024x16384xf32, #tpu.memory_space<hbm>>, %arg8: memref<32xi32, #tpu.memory_space<vmem>>, %arg9: memref<1024xf32, #tpu.memory_space<vmem>>, %arg10: memref<1024xf32, #tpu.memory_space<vmem>>, %arg11: memref<48xf32, #tpu.memory_space<vmem>>, %arg12: memref<48xf32, #tpu.memory_space<vmem>>, %arg13: memref<16384xf32, #tpu.memory_space<vmem>>, %arg14: memref<16384xf32, #tpu.memory_space<vmem>>, %arg15: memref<16384xf32, #tpu.memory_space<vmem>>, %arg16: memref<16384xf32, #tpu.memory_space<vmem>>, %arg17: memref<16384xf32, #tpu.memory_space<vmem>>, %arg18: memref<16384xf32, #tpu.memory_space<vmem>>, %arg19: memref<!tpu.dma_semaphore, #tpu.memory_space<semaphore_mem>>, %arg20: memref<!tpu.dma_semaphore, #tpu.memory_space<semaphore_mem>>, %arg21: memref<!tpu.dma_semaphore, #tpu.memory_space<semaphore_mem>>, %arg22: memref<!tpu.dma_semaphore, #tpu.memory_space<semaphore_mem>>, %arg23: memref<!tpu.dma_semaphore, #tpu.memory_space<semaphore_mem>>, %arg24: memref<!tpu.dma_semaphore, #tpu.memory_space<semaphore_mem>>) attributes {dimension_semantics = [#tpu.dimension_semantics<core_parallel>, #tpu.dimension_semantics<subcore_parallel>], iteration_bounds = array<i64: 2, 16>, scalar_prefetch = 0 : i64, scratch_operands = 17 : i64, tpu.core_type = #tpu.core_type<sc_vector_subcore>, window_params = [{transform_indices = #map}, {transform_indices = #map}, {transform_indices = #map}, {transform_indices = #map1}, {transform_indices = #map1}, {transform_indices = #map1}]} {
    %mul3A = arith.constant 2 : i32
    %mul3A_0 = arith.muli %arg1, %mul3A : i32
    %add3A = arith.addi %mul3A_0, %arg0 : i32
    %mul3A_1 = arith.constant 32 : i32
    %mul3A_2 = arith.muli %add3A, %mul3A_1 : i32
    "tpu.region"() ({
      %run_scoped3A = tpu.sem_alloc : memref<!tpu.dma_semaphore, #tpu.memory_space<semaphore_mem>>
      %dma_start3A_261 = tpu.memref_slice %arg2[%mul3A_2] : memref<1024xi32, #tpu.memory_space<hbm>> -> memref<32xi32, #tpu.memory_space<hbm>>
      %dma_start3A_262 = tpu.memref_slice %arg2[%mul3A_2] : memref<1024xi32, #tpu.memory_space<hbm>> -> memref<32xi32, #tpu.memory_space<hbm>>
      tpu.enqueue_dma source(%dma_start3A_262 : memref<32xi32, #tpu.memory_space<hbm>>) target(%arg8 : memref<32xi32, #tpu.memory_space<vmem>>) target_semaphore(%run_scoped3A : memref<!tpu.dma_semaphore, #tpu.memory_space<semaphore_mem>>)
      %dma_wait3A_263 = tpu.memref_slice %arg2[%mul3A_2] : memref<1024xi32, #tpu.memory_space<hbm>> -> memref<32xi32, #tpu.memory_space<hbm>>
      %dma_wait3A_264 = tpu.memref_slice %arg2[%mul3A_2] : memref<1024xi32, #tpu.memory_space<hbm>> -> memref<32xi32, #tpu.memory_space<hbm>>
      tpu.wait_dma2 semaphore(%run_scoped3A : memref<!tpu.dma_semaphore, #tpu.memory_space<semaphore_mem>>) src(%dma_wait3A_264 : memref<32xi32, #tpu.memory_space<hbm>>) dst(%arg8 : memref<32xi32, #tpu.memory_space<vmem>>)
      tpu.yield
    }) : () -> ()
    "tpu.region"() ({
      %run_scoped3A = tpu.sem_alloc : memref<!tpu.dma_semaphore, #tpu.memory_space<semaphore_mem>>
      tpu.enqueue_dma source(%arg3 : memref<1024xf32, #tpu.memory_space<hbm>>) target(%arg9 : memref<1024xf32, #tpu.memory_space<vmem>>) target_semaphore(%run_scoped3A : memref<!tpu.dma_semaphore, #tpu.memory_space<semaphore_mem>>)
      tpu.wait_dma2 semaphore(%run_scoped3A : memref<!tpu.dma_semaphore, #tpu.memory_space<semaphore_mem>>) src(%arg3 : memref<1024xf32, #tpu.memory_space<hbm>>) dst(%arg9 : memref<1024xf32, #tpu.memory_space<vmem>>)
      tpu.yield
    }) : () -> ()
    "tpu.region"() ({
      %run_scoped3A = tpu.sem_alloc : memref<!tpu.dma_semaphore, #tpu.memory_space<semaphore_mem>>
      tpu.enqueue_dma source(%arg4 : memref<1024xf32, #tpu.memory_space<hbm>>) target(%arg10 : memref<1024xf32, #tpu.memory_space<vmem>>) target_semaphore(%run_scoped3A : memref<!tpu.dma_semaphore, #tpu.memory_space<semaphore_mem>>)
      tpu.wait_dma2 semaphore(%run_scoped3A : memref<!tpu.dma_semaphore, #tpu.memory_space<semaphore_mem>>) src(%arg4 : memref<1024xf32, #tpu.memory_space<hbm>>) dst(%arg10 : memref<1024xf32, #tpu.memory_space<vmem>>)
      tpu.yield
    }) : () -> ()
    %add3A_3 = arith.constant 0 : i32
    %add3A_4 = arith.addi %mul3A_2, %add3A_3 : i32
    %add3A_5 = arith.constant 0 : i32
    %add3A_6 = arith.addi %mul3A_2, %add3A_5 : i32
    %dma_start3A = arith.constant 0 : i32
    %dma_start3A_7 = tpu.memref_slice %arg5[%add3A_4, %dma_start3A] : memref<1024x16384xf32, #tpu.memory_space<hbm>> -> memref<1x16384xf32, #tpu.memory_space<hbm>>
    %dma_start3A_8 = tpu.memref_squeeze %dma_start3A_7 : memref<1x16384xf32, #tpu.memory_space<hbm>> -> memref<16384xf32, #tpu.memory_space<hbm>>
    %dma_start3A_9 = arith.constant 0 : i32
    %dma_start3A_10 = tpu.memref_slice %arg5[%add3A_4, %dma_start3A_9] : memref<1024x16384xf32, #tpu.memory_space<hbm>> -> memref<1x16384xf32, #tpu.memory_space<hbm>>
    %dma_start3A_11 = tpu.memref_squeeze %dma_start3A_10 : memref<1x16384xf32, #tpu.memory_space<hbm>> -> memref<16384xf32, #tpu.memory_space<hbm>>
    tpu.enqueue_dma source(%dma_start3A_11 : memref<16384xf32, #tpu.memory_space<hbm>>) target(%arg13 : memref<16384xf32, #tpu.memory_space<vmem>>) target_semaphore(%arg19 : memref<!tpu.dma_semaphore, #tpu.memory_space<semaphore_mem>>)
    %dma_start3A_12 = arith.constant 0 : i32
    %dma_start3A_13 = tpu.memref_slice %arg6[%add3A_6, %dma_start3A_12] : memref<1024x16384xf32, #tpu.memory_space<hbm>> -> memref<1x16384xf32, #tpu.memory_space<hbm>>
    %dma_start3A_14 = tpu.memref_squeeze %dma_start3A_13 : memref<1x16384xf32, #tpu.memory_space<hbm>> -> memref<16384xf32, #tpu.memory_space<hbm>>
    %dma_start3A_15 = arith.constant 0 : i32
    %dma_start3A_16 = tpu.memref_slice %arg6[%add3A_6, %dma_start3A_15] : memref<1024x16384xf32, #tpu.memory_space<hbm>> -> memref<1x16384xf32, #tpu.memory_space<hbm>>
    %dma_start3A_17 = tpu.memref_squeeze %dma_start3A_16 : memref<1x16384xf32, #tpu.memory_space<hbm>> -> memref<16384xf32, #tpu.memory_space<hbm>>
    tpu.enqueue_dma source(%dma_start3A_17 : memref<16384xf32, #tpu.memory_space<hbm>>) target(%arg15 : memref<16384xf32, #tpu.memory_space<vmem>>) target_semaphore(%arg21 : memref<!tpu.dma_semaphore, #tpu.memory_space<semaphore_mem>>)
    %add3A_18 = arith.constant 1 : i32
    %add3A_19 = arith.addi %mul3A_2, %add3A_18 : i32
    %add3A_20 = arith.constant 1 : i32
    %add3A_21 = arith.addi %mul3A_2, %add3A_20 : i32
    %dma_start3A_22 = arith.constant 0 : i32
    %dma_start3A_23 = tpu.memref_slice %arg5[%add3A_19, %dma_start3A_22] : memref<1024x16384xf32, #tpu.memory_space<hbm>> -> memref<1x16384xf32, #tpu.memory_space<hbm>>
    %dma_start3A_24 = tpu.memref_squeeze %dma_start3A_23 : memref<1x16384xf32, #tpu.memory_space<hbm>> -> memref<16384xf32, #tpu.memory_space<hbm>>
    %dma_start3A_25 = arith.constant 0 : i32
    %dma_start3A_26 = tpu.memref_slice %arg5[%add3A_19, %dma_start3A_25] : memref<1024x16384xf32, #tpu.memory_space<hbm>> -> memref<1x16384xf32, #tpu.memory_space<hbm>>
    %dma_start3A_27 = tpu.memref_squeeze %dma_start3A_26 : memref<1x16384xf32, #tpu.memory_space<hbm>> -> memref<16384xf32, #tpu.memory_space<hbm>>
    tpu.enqueue_dma source(%dma_start3A_27 : memref<16384xf32, #tpu.memory_space<hbm>>) target(%arg14 : memref<16384xf32, #tpu.memory_space<vmem>>) target_semaphore(%arg20 : memref<!tpu.dma_semaphore, #tpu.memory_space<semaphore_mem>>)
    %dma_start3A_28 = arith.constant 0 : i32
    %dma_start3A_29 = tpu.memref_slice %arg6[%add3A_21, %dma_start3A_28] : memref<1024x16384xf32, #tpu.memory_space<hbm>> -> memref<1x16384xf32, #tpu.memory_space<hbm>>
    %dma_start3A_30 = tpu.memref_squeeze %dma_start3A_29 : memref<1x16384xf32, #tpu.memory_space<hbm>> -> memref<16384xf32, #tpu.memory_space<hbm>>
    %dma_start3A_31 = arith.constant 0 : i32
    %dma_start3A_32 = tpu.memref_slice %arg6[%add3A_21, %dma_start3A_31] : memref<1024x16384xf32, #tpu.memory_space<hbm>> -> memref<1x16384xf32, #tpu.memory_space<hbm>>
    %dma_start3A_33 = tpu.memref_squeeze %dma_start3A_32 : memref<1x16384xf32, #tpu.memory_space<hbm>> -> memref<16384xf32, #tpu.memory_space<hbm>>
    tpu.enqueue_dma source(%dma_start3A_33 : memref<16384xf32, #tpu.memory_space<hbm>>) target(%arg16 : memref<16384xf32, #tpu.memory_space<vmem>>) target_semaphore(%arg22 : memref<!tpu.dma_semaphore, #tpu.memory_space<semaphore_mem>>)
    %get3A = arith.constant 0 : index
    %get3A_34 = tpu.vector_load %arg8[%get3A] {strides = array<i32>} : memref<32xi32, #tpu.memory_space<vmem>>, vector<16xi32>,
    %gather3A = tpu.vector_load_idx %arg9[%get3A_34] : memref<1024xf32, #tpu.memory_space<vmem>>[vector<16xi32>], vector<16xf32>,
    %swap3A = arith.constant 16 : index
    %swap3A_35 = tpu.vector_load %arg11[%swap3A] {strides = array<i32>} : memref<48xf32, #tpu.memory_space<vmem>>, vector<16xf32>,
    tpu.vector_store %arg11[%swap3A], %gather3A {strides = array<i32>} : memref<48xf32, #tpu.memory_space<vmem>>, vector<16xf32>,
    %gather3A_36 = tpu.vector_load_idx %arg10[%get3A_34] : memref<1024xf32, #tpu.memory_space<vmem>>[vector<16xi32>], vector<16xf32>,
    %swap3A_37 = arith.constant 16 : index
    %swap3A_38 = tpu.vector_load %arg12[%swap3A_37] {strides = array<i32>} : memref<48xf32, #tpu.memory_space<vmem>>, vector<16xf32>,
    tpu.vector_store %arg12[%swap3A_37], %gather3A_36 {strides = array<i32>} : memref<48xf32, #tpu.memory_space<vmem>>, vector<16xf32>,
    %get3A_39 = arith.constant 16 : index
    %get3A_40 = tpu.vector_load %arg8[%get3A_39] {strides = array<i32>} : memref<32xi32, #tpu.memory_space<vmem>>, vector<16xi32>,
    %gather3A_41 = tpu.vector_load_idx %arg9[%get3A_40] : memref<1024xf32, #tpu.memory_space<vmem>>[vector<16xi32>], vector<16xf32>,
    %swap3A_42 = arith.constant 32 : index
    %swap3A_43 = tpu.vector_load %arg11[%swap3A_42] {strides = array<i32>} : memref<48xf32, #tpu.memory_space<vmem>>, vector<16xf32>,
    tpu.vector_store %arg11[%swap3A_42], %gather3A_41 {strides = array<i32>} : memref<48xf32, #tpu.memory_space<vmem>>, vector<16xf32>,
    %gather3A_44 = tpu.vector_load_idx %arg10[%get3A_40] : memref<1024xf32, #tpu.memory_space<vmem>>[vector<16xi32>], vector<16xf32>,
    %swap3A_45 = arith.constant 32 : index
    %swap3A_46 = tpu.vector_load %arg12[%swap3A_45] {strides = array<i32>} : memref<48xf32, #tpu.memory_space<vmem>>, vector<16xf32>,
    tpu.vector_store %arg12[%swap3A_45], %gather3A_44 {strides = array<i32>} : memref<48xf32, #tpu.memory_space<vmem>>, vector<16xf32>,
    %mul3A_47 = arith.constant 0 : i32
    %mul3A_48 = arith.muli %add3A, %mul3A_47 : i32
    %add3A_49 = arith.constant 0 : i32
    %add3A_50 = arith.addi %mul3A_48, %add3A_49 : i32
    %add3A_51 = arith.addi %mul3A_2, %add3A_50 : i32
    %add3A_52 = arith.addi %mul3A_2, %add3A_50 : i32
    %dma_wait3A = arith.constant 0 : i32
    %dma_wait3A_53 = tpu.memref_slice %arg5[%add3A_51, %dma_wait3A] : memref<1024x16384xf32, #tpu.memory_space<hbm>> -> memref<1x16384xf32, #tpu.memory_space<hbm>>
    %dma_wait3A_54 = tpu.memref_squeeze %dma_wait3A_53 : memref<1x16384xf32, #tpu.memory_space<hbm>> -> memref<16384xf32, #tpu.memory_space<hbm>>
    %dma_wait3A_55 = arith.constant 0 : i32
    %dma_wait3A_56 = tpu.memref_slice %arg5[%add3A_51, %dma_wait3A_55] : memref<1024x16384xf32, #tpu.memory_space<hbm>> -> memref<1x16384xf32, #tpu.memory_space<hbm>>
    %dma_wait3A_57 = tpu.memref_squeeze %dma_wait3A_56 : memref<1x16384xf32, #tpu.memory_space<hbm>> -> memref<16384xf32, #tpu.memory_space<hbm>>
    tpu.wait_dma2 semaphore(%arg19 : memref<!tpu.dma_semaphore, #tpu.memory_space<semaphore_mem>>) src(%dma_wait3A_57 : memref<16384xf32, #tpu.memory_space<hbm>>) dst(%arg13 : memref<16384xf32, #tpu.memory_space<vmem>>)
    %dma_wait3A_58 = arith.constant 0 : i32
    %dma_wait3A_59 = tpu.memref_slice %arg6[%add3A_52, %dma_wait3A_58] : memref<1024x16384xf32, #tpu.memory_space<hbm>> -> memref<1x16384xf32, #tpu.memory_space<hbm>>
    %dma_wait3A_60 = tpu.memref_squeeze %dma_wait3A_59 : memref<1x16384xf32, #tpu.memory_space<hbm>> -> memref<16384xf32, #tpu.memory_space<hbm>>
    %dma_wait3A_61 = arith.constant 0 : i32
    %dma_wait3A_62 = tpu.memref_slice %arg6[%add3A_52, %dma_wait3A_61] : memref<1024x16384xf32, #tpu.memory_space<hbm>> -> memref<1x16384xf32, #tpu.memory_space<hbm>>
    %dma_wait3A_63 = tpu.memref_squeeze %dma_wait3A_62 : memref<1x16384xf32, #tpu.memory_space<hbm>> -> memref<16384xf32, #tpu.memory_space<hbm>>
    tpu.wait_dma2 semaphore(%arg21 : memref<!tpu.dma_semaphore, #tpu.memory_space<semaphore_mem>>) src(%dma_wait3A_63 : memref<16384xf32, #tpu.memory_space<hbm>>) dst(%arg15 : memref<16384xf32, #tpu.memory_space<vmem>>)
    %broadcast_in_dim3A = arith.constant 16 : i32
    %broadcast_in_dim3A_64 = vector.broadcast %broadcast_in_dim3A : i32 to vector<16xi32>
    %add3A_65 = vector.broadcast %add3A_50 : i32 to vector<16xi32>
    %add3A_66 = arith.addi %broadcast_in_dim3A_64, %add3A_65 : vector<16xi32>
    %gather3A_67 = tpu.vector_load_idx %arg11[%add3A_66] : memref<48xf32, #tpu.memory_space<vmem>>[vector<16xi32>], vector<16xf32>,
    %gather3A_68 = tpu.vector_load_idx %arg12[%add3A_66] : memref<48xf32, #tpu.memory_space<vmem>>[vector<16xi32>], vector<16xf32>,
    %scan3A = arith.constant 0 : i32
    %scan3A_69 = arith.constant 0 : i32
    %scan3A_70 = arith.constant 128 : i32
    %scan3A_71 = arith.addi %scan3A_69, %scan3A_70 : i32
    %scan3A_72 = arith.constant 1 : i32
    scf.for %scan3A_261 = %scan3A_69 to %scan3A_71 step %scan3A_72  : i32 {
      %mul3A_262 = arith.constant 8 : i32
      %mul3A_263 = arith.muli %scan3A_261, %mul3A_262 : i32
      %add3A_264 = arith.constant 0 : i32
      %add3A_265 = arith.addi %mul3A_263, %add3A_264 : i32
      %mul3A_266 = arith.constant 16 : i32
      %mul3A_267 = arith.muli %add3A_265, %mul3A_266 : i32
      %get3A_268 = arith.index_cast %mul3A_267 : i32 to index
      %get3A_269 = tpu.vector_load %arg13[%get3A_268] {strides = array<i32>} : memref<16384xf32, #tpu.memory_space<vmem>>, vector<16xf32>,
      %mul3A_270 = arith.mulf %gather3A_67, %get3A_269 : vector<16xf32>
      %get3A_271 = arith.index_cast %mul3A_267 : i32 to index
      %get3A_272 = tpu.vector_load %arg15[%get3A_271] {strides = array<i32>} : memref<16384xf32, #tpu.memory_space<vmem>>, vector<16xf32>,
      %mul3A_273 = arith.mulf %gather3A_68, %get3A_272 : vector<16xf32>
      %add3A_274 = arith.addf %mul3A_270, %mul3A_273 : vector<16xf32>
      %swap3A_275 = arith.index_cast %mul3A_267 : i32 to index
      %swap3A_276 = tpu.vector_load %arg17[%swap3A_275] {strides = array<i32>} : memref<16384xf32, #tpu.memory_space<vmem>>, vector<16xf32>,
      tpu.vector_store %arg17[%swap3A_275], %add3A_274 {strides = array<i32>} : memref<16384xf32, #tpu.memory_space<vmem>>, vector<16xf32>,
      %mul3A_277 = arith.constant 8 : i32
      %mul3A_278 = arith.muli %scan3A_261, %mul3A_277 : i32
      %add3A_279 = arith.constant 1 : i32
      %add3A_280 = arith.addi %mul3A_278, %add3A_279 : i32
      %mul3A_281 = arith.constant 16 : i32
      %mul3A_282 = arith.muli %add3A_280, %mul3A_281 : i32
      %get3A_283 = arith.index_cast %mul3A_282 : i32 to index
      %get3A_284 = tpu.vector_load %arg13[%get3A_283] {strides = array<i32>} : memref<16384xf32, #tpu.memory_space<vmem>>, vector<16xf32>,
      %mul3A_285 = arith.mulf %gather3A_67, %get3A_284 : vector<16xf32>
      %get3A_286 = arith.index_cast %mul3A_282 : i32 to index
      %get3A_287 = tpu.vector_load %arg15[%get3A_286] {strides = array<i32>} : memref<16384xf32, #tpu.memory_space<vmem>>, vector<16xf32>,
      %mul3A_288 = arith.mulf %gather3A_68, %get3A_287 : vector<16xf32>
      %add3A_289 = arith.addf %mul3A_285, %mul3A_288 : vector<16xf32>
      %swap3A_290 = arith.index_cast %mul3A_282 : i32 to index
      %swap3A_291 = tpu.vector_load %arg17[%swap3A_290] {strides = array<i32>} : memref<16384xf32, #tpu.memory_space<vmem>>, vector<16xf32>,
      tpu.vector_store %arg17[%swap3A_290], %add3A_289 {strides = array<i32>} : memref<16384xf32, #tpu.memory_space<vmem>>, vector<16xf32>,
      %mul3A_292 = arith.constant 8 : i32
      %mul3A_293 = arith.muli %scan3A_261, %mul3A_292 : i32
      %add3A_294 = arith.constant 2 : i32
      %add3A_295 = arith.addi %mul3A_293, %add3A_294 : i32
      %mul3A_296 = arith.constant 16 : i32
      %mul3A_297 = arith.muli %add3A_295, %mul3A_296 : i32
      %get3A_298 = arith.index_cast %mul3A_297 : i32 to index
      %get3A_299 = tpu.vector_load %arg13[%get3A_298] {strides = array<i32>} : memref<16384xf32, #tpu.memory_space<vmem>>, vector<16xf32>,
      %mul3A_300 = arith.mulf %gather3A_67, %get3A_299 : vector<16xf32>
      %get3A_301 = arith.index_cast %mul3A_297 : i32 to index
      %get3A_302 = tpu.vector_load %arg15[%get3A_301] {strides = array<i32>} : memref<16384xf32, #tpu.memory_space<vmem>>, vector<16xf32>,
      %mul3A_303 = arith.mulf %gather3A_68, %get3A_302 : vector<16xf32>
      %add3A_304 = arith.addf %mul3A_300, %mul3A_303 : vector<16xf32>
      %swap3A_305 = arith.index_cast %mul3A_297 : i32 to index
      %swap3A_306 = tpu.vector_load %arg17[%swap3A_305] {strides = array<i32>} : memref<16384xf32, #tpu.memory_space<vmem>>, vector<16xf32>,
      tpu.vector_store %arg17[%swap3A_305], %add3A_304 {strides = array<i32>} : memref<16384xf32, #tpu.memory_space<vmem>>, vector<16xf32>,
      %mul3A_307 = arith.constant 8 : i32
      %mul3A_308 = arith.muli %scan3A_261, %mul3A_307 : i32
      %add3A_309 = arith.constant 3 : i32
      %add3A_310 = arith.addi %mul3A_308, %add3A_309 : i32
      %mul3A_311 = arith.constant 16 : i32
      %mul3A_312 = arith.muli %add3A_310, %mul3A_311 : i32
      %get3A_313 = arith.index_cast %mul3A_312 : i32 to index
      %get3A_314 = tpu.vector_load %arg13[%get3A_313] {strides = array<i32>} : memref<16384xf32, #tpu.memory_space<vmem>>, vector<16xf32>,
      %mul3A_315 = arith.mulf %gather3A_67, %get3A_314 : vector<16xf32>
      %get3A_316 = arith.index_cast %mul3A_312 : i32 to index
      %get3A_317 = tpu.vector_load %arg15[%get3A_316] {strides = array<i32>} : memref<16384xf32, #tpu.memory_space<vmem>>, vector<16xf32>,
      %mul3A_318 = arith.mulf %gather3A_68, %get3A_317 : vector<16xf32>
      %add3A_319 = arith.addf %mul3A_315, %mul3A_318 : vector<16xf32>
      %swap3A_320 = arith.index_cast %mul3A_312 : i32 to index
      %swap3A_321 = tpu.vector_load %arg17[%swap3A_320] {strides = array<i32>} : memref<16384xf32, #tpu.memory_space<vmem>>, vector<16xf32>,
      tpu.vector_store %arg17[%swap3A_320], %add3A_319 {strides = array<i32>} : memref<16384xf32, #tpu.memory_space<vmem>>, vector<16xf32>,
      %mul3A_322 = arith.constant 8 : i32
      %mul3A_323 = arith.muli %scan3A_261, %mul3A_322 : i32
      %add3A_324 = arith.constant 4 : i32
      %add3A_325 = arith.addi %mul3A_323, %add3A_324 : i32
      %mul3A_326 = arith.constant 16 : i32
      %mul3A_327 = arith.muli %add3A_325, %mul3A_326 : i32
      %get3A_328 = arith.index_cast %mul3A_327 : i32 to index
      %get3A_329 = tpu.vector_load %arg13[%get3A_328] {strides = array<i32>} : memref<16384xf32, #tpu.memory_space<vmem>>, vector<16xf32>,
      %mul3A_330 = arith.mulf %gather3A_67, %get3A_329 : vector<16xf32>
      %get3A_331 = arith.index_cast %mul3A_327 : i32 to index
      %get3A_332 = tpu.vector_load %arg15[%get3A_331] {strides = array<i32>} : memref<16384xf32, #tpu.memory_space<vmem>>, vector<16xf32>,
      %mul3A_333 = arith.mulf %gather3A_68, %get3A_332 : vector<16xf32>
      %add3A_334 = arith.addf %mul3A_330, %mul3A_333 : vector<16xf32>
      %swap3A_335 = arith.index_cast %mul3A_327 : i32 to index
      %swap3A_336 = tpu.vector_load %arg17[%swap3A_335] {strides = array<i32>} : memref<16384xf32, #tpu.memory_space<vmem>>, vector<16xf32>,
      tpu.vector_store %arg17[%swap3A_335], %add3A_334 {strides = array<i32>} : memref<16384xf32, #tpu.memory_space<vmem>>, vector<16xf32>,
      %mul3A_337 = arith.constant 8 : i32
      %mul3A_338 = arith.muli %scan3A_261, %mul3A_337 : i32
      %add3A_339 = arith.constant 5 : i32
      %add3A_340 = arith.addi %mul3A_338, %add3A_339 : i32
      %mul3A_341 = arith.constant 16 : i32
      %mul3A_342 = arith.muli %add3A_340, %mul3A_341 : i32
      %get3A_343 = arith.index_cast %mul3A_342 : i32 to index
      %get3A_344 = tpu.vector_load %arg13[%get3A_343] {strides = array<i32>} : memref<16384xf32, #tpu.memory_space<vmem>>, vector<16xf32>,
      %mul3A_345 = arith.mulf %gather3A_67, %get3A_344 : vector<16xf32>
      %get3A_346 = arith.index_cast %mul3A_342 : i32 to index
      %get3A_347 = tpu.vector_load %arg15[%get3A_346] {strides = array<i32>} : memref<16384xf32, #tpu.memory_space<vmem>>, vector<16xf32>,
      %mul3A_348 = arith.mulf %gather3A_68, %get3A_347 : vector<16xf32>
      %add3A_349 = arith.addf %mul3A_345, %mul3A_348 : vector<16xf32>
      %swap3A_350 = arith.index_cast %mul3A_342 : i32 to index
      %swap3A_351 = tpu.vector_load %arg17[%swap3A_350] {strides = array<i32>} : memref<16384xf32, #tpu.memory_space<vmem>>, vector<16xf32>,
      tpu.vector_store %arg17[%swap3A_350], %add3A_349 {strides = array<i32>} : memref<16384xf32, #tpu.memory_space<vmem>>, vector<16xf32>,
      %mul3A_352 = arith.constant 8 : i32
      %mul3A_353 = arith.muli %scan3A_261, %mul3A_352 : i32
      %add3A_354 = arith.constant 6 : i32
      %add3A_355 = arith.addi %mul3A_353, %add3A_354 : i32
      %mul3A_356 = arith.constant 16 : i32
      %mul3A_357 = arith.muli %add3A_355, %mul3A_356 : i32
      %get3A_358 = arith.index_cast %mul3A_357 : i32 to index
      %get3A_359 = tpu.vector_load %arg13[%get3A_358] {strides = array<i32>} : memref<16384xf32, #tpu.memory_space<vmem>>, vector<16xf32>,
      %mul3A_360 = arith.mulf %gather3A_67, %get3A_359 : vector<16xf32>
      %get3A_361 = arith.index_cast %mul3A_357 : i32 to index
      %get3A_362 = tpu.vector_load %arg15[%get3A_361] {strides = array<i32>} : memref<16384xf32, #tpu.memory_space<vmem>>, vector<16xf32>,
      %mul3A_363 = arith.mulf %gather3A_68, %get3A_362 : vector<16xf32>
      %add3A_364 = arith.addf %mul3A_360, %mul3A_363 : vector<16xf32>
      %swap3A_365 = arith.index_cast %mul3A_357 : i32 to index
      %swap3A_366 = tpu.vector_load %arg17[%swap3A_365] {strides = array<i32>} : memref<16384xf32, #tpu.memory_space<vmem>>, vector<16xf32>,
      tpu.vector_store %arg17[%swap3A_365], %add3A_364 {strides = array<i32>} : memref<16384xf32, #tpu.memory_space<vmem>>, vector<16xf32>,
      %mul3A_367 = arith.constant 8 : i32
      %mul3A_368 = arith.muli %scan3A_261, %mul3A_367 : i32
      %add3A_369 = arith.constant 7 : i32
      %add3A_370 = arith.addi %mul3A_368, %add3A_369 : i32
      %mul3A_371 = arith.constant 16 : i32
      %mul3A_372 = arith.muli %add3A_370, %mul3A_371 : i32
      %get3A_373 = arith.index_cast %mul3A_372 : i32 to index
      %get3A_374 = tpu.vector_load %arg13[%get3A_373] {strides = array<i32>} : memref<16384xf32, #tpu.memory_space<vmem>>, vector<16xf32>,
      %mul3A_375 = arith.mulf %gather3A_67, %get3A_374 : vector<16xf32>
      %get3A_376 = arith.index_cast %mul3A_372 : i32 to index
      %get3A_377 = tpu.vector_load %arg15[%get3A_376] {strides = array<i32>} : memref<16384xf32, #tpu.memory_space<vmem>>, vector<16xf32>,
      %mul3A_378 = arith.mulf %gather3A_68, %get3A_377 : vector<16xf32>
      %add3A_379 = arith.addf %mul3A_375, %mul3A_378 : vector<16xf32>
      %swap3A_380 = arith.index_cast %mul3A_372 : i32 to index
      %swap3A_381 = tpu.vector_load %arg17[%swap3A_380] {strides = array<i32>} : memref<16384xf32, #tpu.memory_space<vmem>>, vector<16xf32>,
      tpu.vector_store %arg17[%swap3A_380], %add3A_379 {strides = array<i32>} : memref<16384xf32, #tpu.memory_space<vmem>>, vector<16xf32>,
    }
    %scan3A_73 = arith.constant 128 : i32
    %add3A_74 = arith.addi %mul3A_2, %add3A_50 : i32
    %dma_start3A_75 = arith.constant 0 : i32
    %dma_start3A_76 = tpu.memref_slice %arg7[%add3A_74, %dma_start3A_75] : memref<1024x16384xf32, #tpu.memory_space<hbm>> -> memref<1x16384xf32, #tpu.memory_space<hbm>>
    %dma_start3A_77 = tpu.memref_squeeze %dma_start3A_76 : memref<1x16384xf32, #tpu.memory_space<hbm>> -> memref<16384xf32, #tpu.memory_space<hbm>>
    %dma_start3A_78 = arith.constant 0 : i32
    %dma_start3A_79 = tpu.memref_slice %arg7[%add3A_74, %dma_start3A_78] : memref<1024x16384xf32, #tpu.memory_space<hbm>> -> memref<1x16384xf32, #tpu.memory_space<hbm>>
    %dma_start3A_80 = tpu.memref_squeeze %dma_start3A_79 : memref<1x16384xf32, #tpu.memory_space<hbm>> -> memref<16384xf32, #tpu.memory_space<hbm>>
    tpu.enqueue_dma source(%arg17 : memref<16384xf32, #tpu.memory_space<vmem>>) target(%dma_start3A_80 : memref<16384xf32, #tpu.memory_space<hbm>>) target_semaphore(%arg23 : memref<!tpu.dma_semaphore, #tpu.memory_space<semaphore_mem>>)
    %add3A_81 = arith.constant 2 : i32
    %add3A_82 = arith.addi %add3A_50, %add3A_81 : i32
    %add3A_83 = arith.addi %mul3A_2, %add3A_82 : i32
    %add3A_84 = arith.addi %mul3A_2, %add3A_82 : i32
    %dma_start3A_85 = arith.constant 0 : i32
    %dma_start3A_86 = tpu.memref_slice %arg5[%add3A_83, %dma_start3A_85] : memref<1024x16384xf32, #tpu.memory_space<hbm>> -> memref<1x16384xf32, #tpu.memory_space<hbm>>
    %dma_start3A_87 = tpu.memref_squeeze %dma_start3A_86 : memref<1x16384xf32, #tpu.memory_space<hbm>> -> memref<16384xf32, #tpu.memory_space<hbm>>
    %dma_start3A_88 = arith.constant 0 : i32
    %dma_start3A_89 = tpu.memref_slice %arg5[%add3A_83, %dma_start3A_88] : memref<1024x16384xf32, #tpu.memory_space<hbm>> -> memref<1x16384xf32, #tpu.memory_space<hbm>>
    %dma_start3A_90 = tpu.memref_squeeze %dma_start3A_89 : memref<1x16384xf32, #tpu.memory_space<hbm>> -> memref<16384xf32, #tpu.memory_space<hbm>>
    tpu.enqueue_dma source(%dma_start3A_90 : memref<16384xf32, #tpu.memory_space<hbm>>) target(%arg13 : memref<16384xf32, #tpu.memory_space<vmem>>) target_semaphore(%arg19 : memref<!tpu.dma_semaphore, #tpu.memory_space<semaphore_mem>>)
    %dma_start3A_91 = arith.constant 0 : i32
    %dma_start3A_92 = tpu.memref_slice %arg6[%add3A_84, %dma_start3A_91] : memref<1024x16384xf32, #tpu.memory_space<hbm>> -> memref<1x16384xf32, #tpu.memory_space<hbm>>
    %dma_start3A_93 = tpu.memref_squeeze %dma_start3A_92 : memref<1x16384xf32, #tpu.memory_space<hbm>> -> memref<16384xf32, #tpu.memory_space<hbm>>
    %dma_start3A_94 = arith.constant 0 : i32
    %dma_start3A_95 = tpu.memref_slice %arg6[%add3A_84, %dma_start3A_94] : memref<1024x16384xf32, #tpu.memory_space<hbm>> -> memref<1x16384xf32, #tpu.memory_space<hbm>>
    %dma_start3A_96 = tpu.memref_squeeze %dma_start3A_95 : memref<1x16384xf32, #tpu.memory_space<hbm>> -> memref<16384xf32, #tpu.memory_space<hbm>>
    tpu.enqueue_dma source(%dma_start3A_96 : memref<16384xf32, #tpu.memory_space<hbm>>) target(%arg15 : memref<16384xf32, #tpu.memory_space<vmem>>) target_semaphore(%arg21 : memref<!tpu.dma_semaphore, #tpu.memory_space<semaphore_mem>>)
    %add3A_97 = arith.constant 1 : i32
    %add3A_98 = arith.addi %mul3A_48, %add3A_97 : i32
    %add3A_99 = arith.addi %mul3A_2, %add3A_98 : i32
    %add3A_100 = arith.addi %mul3A_2, %add3A_98 : i32
    %dma_wait3A_101 = arith.constant 0 : i32
    %dma_wait3A_102 = tpu.memref_slice %arg5[%add3A_99, %dma_wait3A_101] : memref<1024x16384xf32, #tpu.memory_space<hbm>> -> memref<1x16384xf32, #tpu.memory_space<hbm>>
    %dma_wait3A_103 = tpu.memref_squeeze %dma_wait3A_102 : memref<1x16384xf32, #tpu.memory_space<hbm>> -> memref<16384xf32, #tpu.memory_space<hbm>>
    %dma_wait3A_104 = arith.constant 0 : i32
    %dma_wait3A_105 = tpu.memref_slice %arg5[%add3A_99, %dma_wait3A_104] : memref<1024x16384xf32, #tpu.memory_space<hbm>> -> memref<1x16384xf32, #tpu.memory_space<hbm>>
    %dma_wait3A_106 = tpu.memref_squeeze %dma_wait3A_105 : memref<1x16384xf32, #tpu.memory_space<hbm>> -> memref<16384xf32, #tpu.memory_space<hbm>>
    tpu.wait_dma2 semaphore(%arg20 : memref<!tpu.dma_semaphore, #tpu.memory_space<semaphore_mem>>) src(%dma_wait3A_106 : memref<16384xf32, #tpu.memory_space<hbm>>) dst(%arg14 : memref<16384xf32, #tpu.memory_space<vmem>>)
    %dma_wait3A_107 = arith.constant 0 : i32
    %dma_wait3A_108 = tpu.memref_slice %arg6[%add3A_100, %dma_wait3A_107] : memref<1024x16384xf32, #tpu.memory_space<hbm>> -> memref<1x16384xf32, #tpu.memory_space<hbm>>
    %dma_wait3A_109 = tpu.memref_squeeze %dma_wait3A_108 : memref<1x16384xf32, #tpu.memory_space<hbm>> -> memref<16384xf32, #tpu.memory_space<hbm>>
    %dma_wait3A_110 = arith.constant 0 : i32
    %dma_wait3A_111 = tpu.memref_slice %arg6[%add3A_100, %dma_wait3A_110] : memref<1024x16384xf32, #tpu.memory_space<hbm>> -> memref<1x16384xf32, #tpu.memory_space<hbm>>
    %dma_wait3A_112 = tpu.memref_squeeze %dma_wait3A_111 : memref<1x16384xf32, #tpu.memory_space<hbm>> -> memref<16384xf32, #tpu.memory_space<hbm>>
    tpu.wait_dma2 semaphore(%arg22 : memref<!tpu.dma_semaphore, #tpu.memory_space<semaphore_mem>>) src(%dma_wait3A_112 : memref<16384xf32, #tpu.memory_space<hbm>>) dst(%arg16 : memref<16384xf32, #tpu.memory_space<vmem>>)
    %broadcast_in_dim3A_113 = arith.constant 16 : i32
    %broadcast_in_dim3A_114 = vector.broadcast %broadcast_in_dim3A_113 : i32 to vector<16xi32>
    %add3A_115 = vector.broadcast %add3A_98 : i32 to vector<16xi32>
    %add3A_116 = arith.addi %broadcast_in_dim3A_114, %add3A_115 : vector<16xi32>
    %gather3A_117 = tpu.vector_load_idx %arg11[%add3A_116] : memref<48xf32, #tpu.memory_space<vmem>>[vector<16xi32>], vector<16xf32>,
    %gather3A_118 = tpu.vector_load_idx %arg12[%add3A_116] : memref<48xf32, #tpu.memory_space<vmem>>[vector<16xi32>], vector<16xf32>,
    %scan3A_119 = arith.constant 0 : i32
    %scan3A_120 = arith.constant 0 : i32
    %scan3A_121 = arith.constant 128 : i32
    %scan3A_122 = arith.addi %scan3A_120, %scan3A_121 : i32
    %scan3A_123 = arith.constant 1 : i32
    scf.for %scan3A_261 = %scan3A_120 to %scan3A_122 step %scan3A_123  : i32 {
      %mul3A_262 = arith.constant 8 : i32
      %mul3A_263 = arith.muli %scan3A_261, %mul3A_262 : i32
      %add3A_264 = arith.constant 0 : i32
      %add3A_265 = arith.addi %mul3A_263, %add3A_264 : i32
      %mul3A_266 = arith.constant 16 : i32
      %mul3A_267 = arith.muli %add3A_265, %mul3A_266 : i32
      %get3A_268 = arith.index_cast %mul3A_267 : i32 to index
      %get3A_269 = tpu.vector_load %arg14[%get3A_268] {strides = array<i32>} : memref<16384xf32, #tpu.memory_space<vmem>>, vector<16xf32>,
      %mul3A_270 = arith.mulf %gather3A_117, %get3A_269 : vector<16xf32>
      %get3A_271 = arith.index_cast %mul3A_267 : i32 to index
      %get3A_272 = tpu.vector_load %arg16[%get3A_271] {strides = array<i32>} : memref<16384xf32, #tpu.memory_space<vmem>>, vector<16xf32>,
      %mul3A_273 = arith.mulf %gather3A_118, %get3A_272 : vector<16xf32>
      %add3A_274 = arith.addf %mul3A_270, %mul3A_273 : vector<16xf32>
      %swap3A_275 = arith.index_cast %mul3A_267 : i32 to index
      %swap3A_276 = tpu.vector_load %arg18[%swap3A_275] {strides = array<i32>} : memref<16384xf32, #tpu.memory_space<vmem>>, vector<16xf32>,
      tpu.vector_store %arg18[%swap3A_275], %add3A_274 {strides = array<i32>} : memref<16384xf32, #tpu.memory_space<vmem>>, vector<16xf32>,
      %mul3A_277 = arith.constant 8 : i32
      %mul3A_278 = arith.muli %scan3A_261, %mul3A_277 : i32
      %add3A_279 = arith.constant 1 : i32
      %add3A_280 = arith.addi %mul3A_278, %add3A_279 : i32
      %mul3A_281 = arith.constant 16 : i32
      %mul3A_282 = arith.muli %add3A_280, %mul3A_281 : i32
      %get3A_283 = arith.index_cast %mul3A_282 : i32 to index
      %get3A_284 = tpu.vector_load %arg14[%get3A_283] {strides = array<i32>} : memref<16384xf32, #tpu.memory_space<vmem>>, vector<16xf32>,
      %mul3A_285 = arith.mulf %gather3A_117, %get3A_284 : vector<16xf32>
      %get3A_286 = arith.index_cast %mul3A_282 : i32 to index
      %get3A_287 = tpu.vector_load %arg16[%get3A_286] {strides = array<i32>} : memref<16384xf32, #tpu.memory_space<vmem>>, vector<16xf32>,
      %mul3A_288 = arith.mulf %gather3A_118, %get3A_287 : vector<16xf32>
      %add3A_289 = arith.addf %mul3A_285, %mul3A_288 : vector<16xf32>
      %swap3A_290 = arith.index_cast %mul3A_282 : i32 to index
      %swap3A_291 = tpu.vector_load %arg18[%swap3A_290] {strides = array<i32>} : memref<16384xf32, #tpu.memory_space<vmem>>, vector<16xf32>,
      tpu.vector_store %arg18[%swap3A_290], %add3A_289 {strides = array<i32>} : memref<16384xf32, #tpu.memory_space<vmem>>, vector<16xf32>,
      %mul3A_292 = arith.constant 8 : i32
      %mul3A_293 = arith.muli %scan3A_261, %mul3A_292 : i32
      %add3A_294 = arith.constant 2 : i32
      %add3A_295 = arith.addi %mul3A_293, %add3A_294 : i32
      %mul3A_296 = arith.constant 16 : i32
      %mul3A_297 = arith.muli %add3A_295, %mul3A_296 : i32
      %get3A_298 = arith.index_cast %mul3A_297 : i32 to index
      %get3A_299 = tpu.vector_load %arg14[%get3A_298] {strides = array<i32>} : memref<16384xf32, #tpu.memory_space<vmem>>, vector<16xf32>,
      %mul3A_300 = arith.mulf %gather3A_117, %get3A_299 : vector<16xf32>
      %get3A_301 = arith.index_cast %mul3A_297 : i32 to index
      %get3A_302 = tpu.vector_load %arg16[%get3A_301] {strides = array<i32>} : memref<16384xf32, #tpu.memory_space<vmem>>, vector<16xf32>,
      %mul3A_303 = arith.mulf %gather3A_118, %get3A_302 : vector<16xf32>
      %add3A_304 = arith.addf %mul3A_300, %mul3A_303 : vector<16xf32>
      %swap3A_305 = arith.index_cast %mul3A_297 : i32 to index
      %swap3A_306 = tpu.vector_load %arg18[%swap3A_305] {strides = array<i32>} : memref<16384xf32, #tpu.memory_space<vmem>>, vector<16xf32>,
      tpu.vector_store %arg18[%swap3A_305], %add3A_304 {strides = array<i32>} : memref<16384xf32, #tpu.memory_space<vmem>>, vector<16xf32>,
      %mul3A_307 = arith.constant 8 : i32
      %mul3A_308 = arith.muli %scan3A_261, %mul3A_307 : i32
      %add3A_309 = arith.constant 3 : i32
      %add3A_310 = arith.addi %mul3A_308, %add3A_309 : i32
      %mul3A_311 = arith.constant 16 : i32
      %mul3A_312 = arith.muli %add3A_310, %mul3A_311 : i32
      %get3A_313 = arith.index_cast %mul3A_312 : i32 to index
      %get3A_314 = tpu.vector_load %arg14[%get3A_313] {strides = array<i32>} : memref<16384xf32, #tpu.memory_space<vmem>>, vector<16xf32>,
      %mul3A_315 = arith.mulf %gather3A_117, %get3A_314 : vector<16xf32>
      %get3A_316 = arith.index_cast %mul3A_312 : i32 to index
      %get3A_317 = tpu.vector_load %arg16[%get3A_316] {strides = array<i32>} : memref<16384xf32, #tpu.memory_space<vmem>>, vector<16xf32>,
      %mul3A_318 = arith.mulf %gather3A_118, %get3A_317 : vector<16xf32>
      %add3A_319 = arith.addf %mul3A_315, %mul3A_318 : vector<16xf32>
      %swap3A_320 = arith.index_cast %mul3A_312 : i32 to index
      %swap3A_321 = tpu.vector_load %arg18[%swap3A_320] {strides = array<i32>} : memref<16384xf32, #tpu.memory_space<vmem>>, vector<16xf32>,
      tpu.vector_store %arg18[%swap3A_320], %add3A_319 {strides = array<i32>} : memref<16384xf32, #tpu.memory_space<vmem>>, vector<16xf32>,
      %mul3A_322 = arith.constant 8 : i32
      %mul3A_323 = arith.muli %scan3A_261, %mul3A_322 : i32
      %add3A_324 = arith.constant 4 : i32
      %add3A_325 = arith.addi %mul3A_323, %add3A_324 : i32
      %mul3A_326 = arith.constant 16 : i32
      %mul3A_327 = arith.muli %add3A_325, %mul3A_326 : i32
      %get3A_328 = arith.index_cast %mul3A_327 : i32 to index
      %get3A_329 = tpu.vector_load %arg14[%get3A_328] {strides = array<i32>} : memref<16384xf32, #tpu.memory_space<vmem>>, vector<16xf32>,
      %mul3A_330 = arith.mulf %gather3A_117, %get3A_329 : vector<16xf32>
      %get3A_331 = arith.index_cast %mul3A_327 : i32 to index
      %get3A_332 = tpu.vector_load %arg16[%get3A_331] {strides = array<i32>} : memref<16384xf32, #tpu.memory_space<vmem>>, vector<16xf32>,
      %mul3A_333 = arith.mulf %gather3A_118, %get3A_332 : vector<16xf32>
      %add3A_334 = arith.addf %mul3A_330, %mul3A_333 : vector<16xf32>
      %swap3A_335 = arith.index_cast %mul3A_327 : i32 to index
      %swap3A_336 = tpu.vector_load %arg18[%swap3A_335] {strides = array<i32>} : memref<16384xf32, #tpu.memory_space<vmem>>, vector<16xf32>,
      tpu.vector_store %arg18[%swap3A_335], %add3A_334 {strides = array<i32>} : memref<16384xf32, #tpu.memory_space<vmem>>, vector<16xf32>,
      %mul3A_337 = arith.constant 8 : i32
      %mul3A_338 = arith.muli %scan3A_261, %mul3A_337 : i32
      %add3A_339 = arith.constant 5 : i32
      %add3A_340 = arith.addi %mul3A_338, %add3A_339 : i32
      %mul3A_341 = arith.constant 16 : i32
      %mul3A_342 = arith.muli %add3A_340, %mul3A_341 : i32
      %get3A_343 = arith.index_cast %mul3A_342 : i32 to index
      %get3A_344 = tpu.vector_load %arg14[%get3A_343] {strides = array<i32>} : memref<16384xf32, #tpu.memory_space<vmem>>, vector<16xf32>,
      %mul3A_345 = arith.mulf %gather3A_117, %get3A_344 : vector<16xf32>
      %get3A_346 = arith.index_cast %mul3A_342 : i32 to index
      %get3A_347 = tpu.vector_load %arg16[%get3A_346] {strides = array<i32>} : memref<16384xf32, #tpu.memory_space<vmem>>, vector<16xf32>,
      %mul3A_348 = arith.mulf %gather3A_118, %get3A_347 : vector<16xf32>
      %add3A_349 = arith.addf %mul3A_345, %mul3A_348 : vector<16xf32>
      %swap3A_350 = arith.index_cast %mul3A_342 : i32 to index
      %swap3A_351 = tpu.vector_load %arg18[%swap3A_350] {strides = array<i32>} : memref<16384xf32, #tpu.memory_space<vmem>>, vector<16xf32>,
      tpu.vector_store %arg18[%swap3A_350], %add3A_349 {strides = array<i32>} : memref<16384xf32, #tpu.memory_space<vmem>>, vector<16xf32>,
      %mul3A_352 = arith.constant 8 : i32
      %mul3A_353 = arith.muli %scan3A_261, %mul3A_352 : i32
      %add3A_354 = arith.constant 6 : i32
      %add3A_355 = arith.addi %mul3A_353, %add3A_354 : i32
      %mul3A_356 = arith.constant 16 : i32
      %mul3A_357 = arith.muli %add3A_355, %mul3A_356 : i32
      %get3A_358 = arith.index_cast %mul3A_357 : i32 to index
      %get3A_359 = tpu.vector_load %arg14[%get3A_358] {strides = array<i32>} : memref<16384xf32, #tpu.memory_space<vmem>>, vector<16xf32>,
      %mul3A_360 = arith.mulf %gather3A_117, %get3A_359 : vector<16xf32>
      %get3A_361 = arith.index_cast %mul3A_357 : i32 to index
      %get3A_362 = tpu.vector_load %arg16[%get3A_361] {strides = array<i32>} : memref<16384xf32, #tpu.memory_space<vmem>>, vector<16xf32>,
      %mul3A_363 = arith.mulf %gather3A_118, %get3A_362 : vector<16xf32>
      %add3A_364 = arith.addf %mul3A_360, %mul3A_363 : vector<16xf32>
      %swap3A_365 = arith.index_cast %mul3A_357 : i32 to index
      %swap3A_366 = tpu.vector_load %arg18[%swap3A_365] {strides = array<i32>} : memref<16384xf32, #tpu.memory_space<vmem>>, vector<16xf32>,
      tpu.vector_store %arg18[%swap3A_365], %add3A_364 {strides = array<i32>} : memref<16384xf32, #tpu.memory_space<vmem>>, vector<16xf32>,
      %mul3A_367 = arith.constant 8 : i32
      %mul3A_368 = arith.muli %scan3A_261, %mul3A_367 : i32
      %add3A_369 = arith.constant 7 : i32
      %add3A_370 = arith.addi %mul3A_368, %add3A_369 : i32
      %mul3A_371 = arith.constant 16 : i32
      %mul3A_372 = arith.muli %add3A_370, %mul3A_371 : i32
      %get3A_373 = arith.index_cast %mul3A_372 : i32 to index
      %get3A_374 = tpu.vector_load %arg14[%get3A_373] {strides = array<i32>} : memref<16384xf32, #tpu.memory_space<vmem>>, vector<16xf32>,
      %mul3A_375 = arith.mulf %gather3A_117, %get3A_374 : vector<16xf32>
      %get3A_376 = arith.index_cast %mul3A_372 : i32 to index
      %get3A_377 = tpu.vector_load %arg16[%get3A_376] {strides = array<i32>} : memref<16384xf32, #tpu.memory_space<vmem>>, vector<16xf32>,
      %mul3A_378 = arith.mulf %gather3A_118, %get3A_377 : vector<16xf32>
      %add3A_379 = arith.addf %mul3A_375, %mul3A_378 : vector<16xf32>
      %swap3A_380 = arith.index_cast %mul3A_372 : i32 to index
      %swap3A_381 = tpu.vector_load %arg18[%swap3A_380] {strides = array<i32>} : memref<16384xf32, #tpu.memory_space<vmem>>, vector<16xf32>,
      tpu.vector_store %arg18[%swap3A_380], %add3A_379 {strides = array<i32>} : memref<16384xf32, #tpu.memory_space<vmem>>, vector<16xf32>,
    }
    %scan3A_124 = arith.constant 128 : i32
    %add3A_125 = arith.addi %mul3A_2, %add3A_98 : i32
    %dma_start3A_126 = arith.constant 0 : i32
    %dma_start3A_127 = tpu.memref_slice %arg7[%add3A_125, %dma_start3A_126] : memref<1024x16384xf32, #tpu.memory_space<hbm>> -> memref<1x16384xf32, #tpu.memory_space<hbm>>
    %dma_start3A_128 = tpu.memref_squeeze %dma_start3A_127 : memref<1x16384xf32, #tpu.memory_space<hbm>> -> memref<16384xf32, #tpu.memory_space<hbm>>
    %dma_start3A_129 = arith.constant 0 : i32
    %dma_start3A_130 = tpu.memref_slice %arg7[%add3A_125, %dma_start3A_129] : memref<1024x16384xf32, #tpu.memory_space<hbm>> -> memref<1x16384xf32, #tpu.memory_space<hbm>>
    %dma_start3A_131 = tpu.memref_squeeze %dma_start3A_130 : memref<1x16384xf32, #tpu.memory_space<hbm>> -> memref<16384xf32, #tpu.memory_space<hbm>>
    tpu.enqueue_dma source(%arg18 : memref<16384xf32, #tpu.memory_space<vmem>>) target(%dma_start3A_131 : memref<16384xf32, #tpu.memory_space<hbm>>) target_semaphore(%arg24 : memref<!tpu.dma_semaphore, #tpu.memory_space<semaphore_mem>>)
    %add3A_132 = arith.constant 2 : i32
    %add3A_133 = arith.addi %add3A_98, %add3A_132 : i32
    %add3A_134 = arith.addi %mul3A_2, %add3A_133 : i32
    %add3A_135 = arith.addi %mul3A_2, %add3A_133 : i32
    %dma_start3A_136 = arith.constant 0 : i32
    %dma_start3A_137 = tpu.memref_slice %arg5[%add3A_134, %dma_start3A_136] : memref<1024x16384xf32, #tpu.memory_space<hbm>> -> memref<1x16384xf32, #tpu.memory_space<hbm>>
    %dma_start3A_138 = tpu.memref_squeeze %dma_start3A_137 : memref<1x16384xf32, #tpu.memory_space<hbm>> -> memref<16384xf32, #tpu.memory_space<hbm>>
    %dma_start3A_139 = arith.constant 0 : i32
    %dma_start3A_140 = tpu.memref_slice %arg5[%add3A_134, %dma_start3A_139] : memref<1024x16384xf32, #tpu.memory_space<hbm>> -> memref<1x16384xf32, #tpu.memory_space<hbm>>
    %dma_start3A_141 = tpu.memref_squeeze %dma_start3A_140 : memref<1x16384xf32, #tpu.memory_space<hbm>> -> memref<16384xf32, #tpu.memory_space<hbm>>
    tpu.enqueue_dma source(%dma_start3A_141 : memref<16384xf32, #tpu.memory_space<hbm>>) target(%arg14 : memref<16384xf32, #tpu.memory_space<vmem>>) target_semaphore(%arg20 : memref<!tpu.dma_semaphore, #tpu.memory_space<semaphore_mem>>)
    %dma_start3A_142 = arith.constant 0 : i32
    %dma_start3A_143 = tpu.memref_slice %arg6[%add3A_135, %dma_start3A_142] : memref<1024x16384xf32, #tpu.memory_space<hbm>> -> memref<1x16384xf32, #tpu.memory_space<hbm>>
    %dma_start3A_144 = tpu.memref_squeeze %dma_start3A_143 : memref<1x16384xf32, #tpu.memory_space<hbm>> -> memref<16384xf32, #tpu.memory_space<hbm>>
    %dma_start3A_145 = arith.constant 0 : i32
    %dma_start3A_146 = tpu.memref_slice %arg6[%add3A_135, %dma_start3A_145] : memref<1024x16384xf32, #tpu.memory_space<hbm>> -> memref<1x16384xf32, #tpu.memory_space<hbm>>
    %dma_start3A_147 = tpu.memref_squeeze %dma_start3A_146 : memref<1x16384xf32, #tpu.memory_space<hbm>> -> memref<16384xf32, #tpu.memory_space<hbm>>
    tpu.enqueue_dma source(%dma_start3A_147 : memref<16384xf32, #tpu.memory_space<hbm>>) target(%arg16 : memref<16384xf32, #tpu.memory_space<vmem>>) target_semaphore(%arg22 : memref<!tpu.dma_semaphore, #tpu.memory_space<semaphore_mem>>)
    %scan3A_148 = arith.constant 0 : i32
    %scan3A_149 = arith.constant 0 : i32
    %scan3A_150 = arith.constant 14 : i32
    %scan3A_151 = arith.addi %scan3A_149, %scan3A_150 : i32
    %scan3A_152 = arith.constant 1 : i32
    scf.for %scan3A_261 = %scan3A_149 to %scan3A_151 step %scan3A_152  : i32 {
      %mul3A_262 = arith.constant 2 : i32
      %mul3A_263 = arith.muli %scan3A_261, %mul3A_262 : i32
      %add3A_264 = arith.constant 2 : i32
      %add3A_265 = arith.addi %add3A_264, %mul3A_263 : i32
      %add3A_266 = arith.addi %mul3A_2, %add3A_265 : i32
      %add3A_267 = arith.addi %mul3A_2, %add3A_265 : i32
      %dma_wait3A_268 = arith.constant 0 : i32
      %dma_wait3A_269 = tpu.memref_slice %arg5[%add3A_266, %dma_wait3A_268] : memref<1024x16384xf32, #tpu.memory_space<hbm>> -> memref<1x16384xf32, #tpu.memory_space<hbm>>
      %dma_wait3A_270 = tpu.memref_squeeze %dma_wait3A_269 : memref<1x16384xf32, #tpu.memory_space<hbm>> -> memref<16384xf32, #tpu.memory_space<hbm>>
      %dma_wait3A_271 = arith.constant 0 : i32
      %dma_wait3A_272 = tpu.memref_slice %arg5[%add3A_266, %dma_wait3A_271] : memref<1024x16384xf32, #tpu.memory_space<hbm>> -> memref<1x16384xf32, #tpu.memory_space<hbm>>
      %dma_wait3A_273 = tpu.memref_squeeze %dma_wait3A_272 : memref<1x16384xf32, #tpu.memory_space<hbm>> -> memref<16384xf32, #tpu.memory_space<hbm>>
      tpu.wait_dma2 semaphore(%arg19 : memref<!tpu.dma_semaphore, #tpu.memory_space<semaphore_mem>>) src(%dma_wait3A_273 : memref<16384xf32, #tpu.memory_space<hbm>>) dst(%arg13 : memref<16384xf32, #tpu.memory_space<vmem>>)
      %dma_wait3A_274 = arith.constant 0 : i32
      %dma_wait3A_275 = tpu.memref_slice %arg6[%add3A_267, %dma_wait3A_274] : memref<1024x16384xf32, #tpu.memory_space<hbm>> -> memref<1x16384xf32, #tpu.memory_space<hbm>>
      %dma_wait3A_276 = tpu.memref_squeeze %dma_wait3A_275 : memref<1x16384xf32, #tpu.memory_space<hbm>> -> memref<16384xf32, #tpu.memory_space<hbm>>
      %dma_wait3A_277 = arith.constant 0 : i32
      %dma_wait3A_278 = tpu.memref_slice %arg6[%add3A_267, %dma_wait3A_277] : memref<1024x16384xf32, #tpu.memory_space<hbm>> -> memref<1x16384xf32, #tpu.memory_space<hbm>>
      %dma_wait3A_279 = tpu.memref_squeeze %dma_wait3A_278 : memref<1x16384xf32, #tpu.memory_space<hbm>> -> memref<16384xf32, #tpu.memory_space<hbm>>
      tpu.wait_dma2 semaphore(%arg21 : memref<!tpu.dma_semaphore, #tpu.memory_space<semaphore_mem>>) src(%dma_wait3A_279 : memref<16384xf32, #tpu.memory_space<hbm>>) dst(%arg15 : memref<16384xf32, #tpu.memory_space<vmem>>)
      %sub3A_280 = arith.constant 2 : i32
      %sub3A_281 = arith.subi %add3A_265, %sub3A_280 : i32
      %add3A_282 = arith.addi %mul3A_2, %sub3A_281 : i32
      %dma_wait3A_283 = arith.constant 0 : i32
      %dma_wait3A_284 = tpu.memref_slice %arg7[%add3A_282, %dma_wait3A_283] : memref<1024x16384xf32, #tpu.memory_space<hbm>> -> memref<1x16384xf32, #tpu.memory_space<hbm>>
      %dma_wait3A_285 = tpu.memref_squeeze %dma_wait3A_284 : memref<1x16384xf32, #tpu.memory_space<hbm>> -> memref<16384xf32, #tpu.memory_space<hbm>>
      %dma_wait3A_286 = arith.constant 0 : i32
      %dma_wait3A_287 = tpu.memref_slice %arg7[%add3A_282, %dma_wait3A_286] : memref<1024x16384xf32, #tpu.memory_space<hbm>> -> memref<1x16384xf32, #tpu.memory_space<hbm>>
      %dma_wait3A_288 = tpu.memref_squeeze %dma_wait3A_287 : memref<1x16384xf32, #tpu.memory_space<hbm>> -> memref<16384xf32, #tpu.memory_space<hbm>>
      tpu.wait_dma2 semaphore(%arg23 : memref<!tpu.dma_semaphore, #tpu.memory_space<semaphore_mem>>) src(%arg17 : memref<16384xf32, #tpu.memory_space<vmem>>) dst(%dma_wait3A_288 : memref<16384xf32, #tpu.memory_space<hbm>>)
      %broadcast_in_dim3A_289 = arith.constant 16 : i32
      %broadcast_in_dim3A_290 = vector.broadcast %broadcast_in_dim3A_289 : i32 to vector<16xi32>
      %add3A_291 = vector.broadcast %add3A_265 : i32 to vector<16xi32>
      %add3A_292 = arith.addi %broadcast_in_dim3A_290, %add3A_291 : vector<16xi32>
      %gather3A_293 = tpu.vector_load_idx %arg11[%add3A_292] : memref<48xf32, #tpu.memory_space<vmem>>[vector<16xi32>], vector<16xf32>,
      %gather3A_294 = tpu.vector_load_idx %arg12[%add3A_292] : memref<48xf32, #tpu.memory_space<vmem>>[vector<16xi32>], vector<16xf32>,
      %scan3A_295 = arith.constant 0 : i32
      %scan3A_296 = arith.constant 0 : i32
      %scan3A_297 = arith.constant 128 : i32
      %scan3A_298 = arith.addi %scan3A_296, %scan3A_297 : i32
      %scan3A_299 = arith.constant 1 : i32
      scf.for %scan3A_384 = %scan3A_296 to %scan3A_298 step %scan3A_299  : i32 {
        %mul3A_385 = arith.constant 8 : i32
        %mul3A_386 = arith.muli %scan3A_384, %mul3A_385 : i32
        %add3A_387 = arith.constant 0 : i32
        %add3A_388 = arith.addi %mul3A_386, %add3A_387 : i32
        %mul3A_389 = arith.constant 16 : i32
        %mul3A_390 = arith.muli %add3A_388, %mul3A_389 : i32
        %get3A_391 = arith.index_cast %mul3A_390 : i32 to index
        %get3A_392 = tpu.vector_load %arg13[%get3A_391] {strides = array<i32>} : memref<16384xf32, #tpu.memory_space<vmem>>, vector<16xf32>,
        %mul3A_393 = arith.mulf %gather3A_293, %get3A_392 : vector<16xf32>
        %get3A_394 = arith.index_cast %mul3A_390 : i32 to index
        %get3A_395 = tpu.vector_load %arg15[%get3A_394] {strides = array<i32>} : memref<16384xf32, #tpu.memory_space<vmem>>, vector<16xf32>,
        %mul3A_396 = arith.mulf %gather3A_294, %get3A_395 : vector<16xf32>
        %add3A_397 = arith.addf %mul3A_393, %mul3A_396 : vector<16xf32>
        %swap3A_398 = arith.index_cast %mul3A_390 : i32 to index
        %swap3A_399 = tpu.vector_load %arg17[%swap3A_398] {strides = array<i32>} : memref<16384xf32, #tpu.memory_space<vmem>>, vector<16xf32>,
        tpu.vector_store %arg17[%swap3A_398], %add3A_397 {strides = array<i32>} : memref<16384xf32, #tpu.memory_space<vmem>>, vector<16xf32>,
        %mul3A_400 = arith.constant 8 : i32
        %mul3A_401 = arith.muli %scan3A_384, %mul3A_400 : i32
        %add3A_402 = arith.constant 1 : i32
        %add3A_403 = arith.addi %mul3A_401, %add3A_402 : i32
        %mul3A_404 = arith.constant 16 : i32
        %mul3A_405 = arith.muli %add3A_403, %mul3A_404 : i32
        %get3A_406 = arith.index_cast %mul3A_405 : i32 to index
        %get3A_407 = tpu.vector_load %arg13[%get3A_406] {strides = array<i32>} : memref<16384xf32, #tpu.memory_space<vmem>>, vector<16xf32>,
        %mul3A_408 = arith.mulf %gather3A_293, %get3A_407 : vector<16xf32>
        %get3A_409 = arith.index_cast %mul3A_405 : i32 to index
        %get3A_410 = tpu.vector_load %arg15[%get3A_409] {strides = array<i32>} : memref<16384xf32, #tpu.memory_space<vmem>>, vector<16xf32>,
        %mul3A_411 = arith.mulf %gather3A_294, %get3A_410 : vector<16xf32>
        %add3A_412 = arith.addf %mul3A_408, %mul3A_411 : vector<16xf32>
        %swap3A_413 = arith.index_cast %mul3A_405 : i32 to index
        %swap3A_414 = tpu.vector_load %arg17[%swap3A_413] {strides = array<i32>} : memref<16384xf32, #tpu.memory_space<vmem>>, vector<16xf32>,
        tpu.vector_store %arg17[%swap3A_413], %add3A_412 {strides = array<i32>} : memref<16384xf32, #tpu.memory_space<vmem>>, vector<16xf32>,
        %mul3A_415 = arith.constant 8 : i32
        %mul3A_416 = arith.muli %scan3A_384, %mul3A_415 : i32
        %add3A_417 = arith.constant 2 : i32
        %add3A_418 = arith.addi %mul3A_416, %add3A_417 : i32
        %mul3A_419 = arith.constant 16 : i32
        %mul3A_420 = arith.muli %add3A_418, %mul3A_419 : i32
        %get3A_421 = arith.index_cast %mul3A_420 : i32 to index
        %get3A_422 = tpu.vector_load %arg13[%get3A_421] {strides = array<i32>} : memref<16384xf32, #tpu.memory_space<vmem>>, vector<16xf32>,
        %mul3A_423 = arith.mulf %gather3A_293, %get3A_422 : vector<16xf32>
        %get3A_424 = arith.index_cast %mul3A_420 : i32 to index
        %get3A_425 = tpu.vector_load %arg15[%get3A_424] {strides = array<i32>} : memref<16384xf32, #tpu.memory_space<vmem>>, vector<16xf32>,
        %mul3A_426 = arith.mulf %gather3A_294, %get3A_425 : vector<16xf32>
        %add3A_427 = arith.addf %mul3A_423, %mul3A_426 : vector<16xf32>
        %swap3A_428 = arith.index_cast %mul3A_420 : i32 to index
        %swap3A_429 = tpu.vector_load %arg17[%swap3A_428] {strides = array<i32>} : memref<16384xf32, #tpu.memory_space<vmem>>, vector<16xf32>,
        tpu.vector_store %arg17[%swap3A_428], %add3A_427 {strides = array<i32>} : memref<16384xf32, #tpu.memory_space<vmem>>, vector<16xf32>,
        %mul3A_430 = arith.constant 8 : i32
        %mul3A_431 = arith.muli %scan3A_384, %mul3A_430 : i32
        %add3A_432 = arith.constant 3 : i32
        %add3A_433 = arith.addi %mul3A_431, %add3A_432 : i32
        %mul3A_434 = arith.constant 16 : i32
        %mul3A_435 = arith.muli %add3A_433, %mul3A_434 : i32
        %get3A_436 = arith.index_cast %mul3A_435 : i32 to index
        %get3A_437 = tpu.vector_load %arg13[%get3A_436] {strides = array<i32>} : memref<16384xf32, #tpu.memory_space<vmem>>, vector<16xf32>,
        %mul3A_438 = arith.mulf %gather3A_293, %get3A_437 : vector<16xf32>
        %get3A_439 = arith.index_cast %mul3A_435 : i32 to index
        %get3A_440 = tpu.vector_load %arg15[%get3A_439] {strides = array<i32>} : memref<16384xf32, #tpu.memory_space<vmem>>, vector<16xf32>,
        %mul3A_441 = arith.mulf %gather3A_294, %get3A_440 : vector<16xf32>
        %add3A_442 = arith.addf %mul3A_438, %mul3A_441 : vector<16xf32>
        %swap3A_443 = arith.index_cast %mul3A_435 : i32 to index
        %swap3A_444 = tpu.vector_load %arg17[%swap3A_443] {strides = array<i32>} : memref<16384xf32, #tpu.memory_space<vmem>>, vector<16xf32>,
        tpu.vector_store %arg17[%swap3A_443], %add3A_442 {strides = array<i32>} : memref<16384xf32, #tpu.memory_space<vmem>>, vector<16xf32>,
        %mul3A_445 = arith.constant 8 : i32
        %mul3A_446 = arith.muli %scan3A_384, %mul3A_445 : i32
        %add3A_447 = arith.constant 4 : i32
        %add3A_448 = arith.addi %mul3A_446, %add3A_447 : i32
        %mul3A_449 = arith.constant 16 : i32
        %mul3A_450 = arith.muli %add3A_448, %mul3A_449 : i32
        %get3A_451 = arith.index_cast %mul3A_450 : i32 to index
        %get3A_452 = tpu.vector_load %arg13[%get3A_451] {strides = array<i32>} : memref<16384xf32, #tpu.memory_space<vmem>>, vector<16xf32>,
        %mul3A_453 = arith.mulf %gather3A_293, %get3A_452 : vector<16xf32>
        %get3A_454 = arith.index_cast %mul3A_450 : i32 to index
        %get3A_455 = tpu.vector_load %arg15[%get3A_454] {strides = array<i32>} : memref<16384xf32, #tpu.memory_space<vmem>>, vector<16xf32>,
        %mul3A_456 = arith.mulf %gather3A_294, %get3A_455 : vector<16xf32>
        %add3A_457 = arith.addf %mul3A_453, %mul3A_456 : vector<16xf32>
        %swap3A_458 = arith.index_cast %mul3A_450 : i32 to index
        %swap3A_459 = tpu.vector_load %arg17[%swap3A_458] {strides = array<i32>} : memref<16384xf32, #tpu.memory_space<vmem>>, vector<16xf32>,
        tpu.vector_store %arg17[%swap3A_458], %add3A_457 {strides = array<i32>} : memref<16384xf32, #tpu.memory_space<vmem>>, vector<16xf32>,
        %mul3A_460 = arith.constant 8 : i32
        %mul3A_461 = arith.muli %scan3A_384, %mul3A_460 : i32
        %add3A_462 = arith.constant 5 : i32
        %add3A_463 = arith.addi %mul3A_461, %add3A_462 : i32
        %mul3A_464 = arith.constant 16 : i32
        %mul3A_465 = arith.muli %add3A_463, %mul3A_464 : i32
        %get3A_466 = arith.index_cast %mul3A_465 : i32 to index
        %get3A_467 = tpu.vector_load %arg13[%get3A_466] {strides = array<i32>} : memref<16384xf32, #tpu.memory_space<vmem>>, vector<16xf32>,
        %mul3A_468 = arith.mulf %gather3A_293, %get3A_467 : vector<16xf32>
        %get3A_469 = arith.index_cast %mul3A_465 : i32 to index
        %get3A_470 = tpu.vector_load %arg15[%get3A_469] {strides = array<i32>} : memref<16384xf32, #tpu.memory_space<vmem>>, vector<16xf32>,
        %mul3A_471 = arith.mulf %gather3A_294, %get3A_470 : vector<16xf32>
        %add3A_472 = arith.addf %mul3A_468, %mul3A_471 : vector<16xf32>
        %swap3A_473 = arith.index_cast %mul3A_465 : i32 to index
        %swap3A_474 = tpu.vector_load %arg17[%swap3A_473] {strides = array<i32>} : memref<16384xf32, #tpu.memory_space<vmem>>, vector<16xf32>,
        tpu.vector_store %arg17[%swap3A_473], %add3A_472 {strides = array<i32>} : memref<16384xf32, #tpu.memory_space<vmem>>, vector<16xf32>,
        %mul3A_475 = arith.constant 8 : i32
        %mul3A_476 = arith.muli %scan3A_384, %mul3A_475 : i32
        %add3A_477 = arith.constant 6 : i32
        %add3A_478 = arith.addi %mul3A_476, %add3A_477 : i32
        %mul3A_479 = arith.constant 16 : i32
        %mul3A_480 = arith.muli %add3A_478, %mul3A_479 : i32
        %get3A_481 = arith.index_cast %mul3A_480 : i32 to index
        %get3A_482 = tpu.vector_load %arg13[%get3A_481] {strides = array<i32>} : memref<16384xf32, #tpu.memory_space<vmem>>, vector<16xf32>,
        %mul3A_483 = arith.mulf %gather3A_293, %get3A_482 : vector<16xf32>
        %get3A_484 = arith.index_cast %mul3A_480 : i32 to index
        %get3A_485 = tpu.vector_load %arg15[%get3A_484] {strides = array<i32>} : memref<16384xf32, #tpu.memory_space<vmem>>, vector<16xf32>,
        %mul3A_486 = arith.mulf %gather3A_294, %get3A_485 : vector<16xf32>
        %add3A_487 = arith.addf %mul3A_483, %mul3A_486 : vector<16xf32>
        %swap3A_488 = arith.index_cast %mul3A_480 : i32 to index
        %swap3A_489 = tpu.vector_load %arg17[%swap3A_488] {strides = array<i32>} : memref<16384xf32, #tpu.memory_space<vmem>>, vector<16xf32>,
        tpu.vector_store %arg17[%swap3A_488], %add3A_487 {strides = array<i32>} : memref<16384xf32, #tpu.memory_space<vmem>>, vector<16xf32>,
        %mul3A_490 = arith.constant 8 : i32
        %mul3A_491 = arith.muli %scan3A_384, %mul3A_490 : i32
        %add3A_492 = arith.constant 7 : i32
        %add3A_493 = arith.addi %mul3A_491, %add3A_492 : i32
        %mul3A_494 = arith.constant 16 : i32
        %mul3A_495 = arith.muli %add3A_493, %mul3A_494 : i32
        %get3A_496 = arith.index_cast %mul3A_495 : i32 to index
        %get3A_497 = tpu.vector_load %arg13[%get3A_496] {strides = array<i32>} : memref<16384xf32, #tpu.memory_space<vmem>>, vector<16xf32>,
        %mul3A_498 = arith.mulf %gather3A_293, %get3A_497 : vector<16xf32>
        %get3A_499 = arith.index_cast %mul3A_495 : i32 to index
        %get3A_500 = tpu.vector_load %arg15[%get3A_499] {strides = array<i32>} : memref<16384xf32, #tpu.memory_space<vmem>>, vector<16xf32>,
        %mul3A_501 = arith.mulf %gather3A_294, %get3A_500 : vector<16xf32>
        %add3A_502 = arith.addf %mul3A_498, %mul3A_501 : vector<16xf32>
        %swap3A_503 = arith.index_cast %mul3A_495 : i32 to index
        %swap3A_504 = tpu.vector_load %arg17[%swap3A_503] {strides = array<i32>} : memref<16384xf32, #tpu.memory_space<vmem>>, vector<16xf32>,
        tpu.vector_store %arg17[%swap3A_503], %add3A_502 {strides = array<i32>} : memref<16384xf32, #tpu.memory_space<vmem>>, vector<16xf32>,
      }
      %scan3A_300 = arith.constant 128 : i32
      %add3A_301 = arith.addi %mul3A_2, %add3A_265 : i32
      %dma_start3A_302 = arith.constant 0 : i32
      %dma_start3A_303 = tpu.memref_slice %arg7[%add3A_301, %dma_start3A_302] : memref<1024x16384xf32, #tpu.memory_space<hbm>> -> memref<1x16384xf32, #tpu.memory_space<hbm>>
      %dma_start3A_304 = tpu.memref_squeeze %dma_start3A_303 : memref<1x16384xf32, #tpu.memory_space<hbm>> -> memref<16384xf32, #tpu.memory_space<hbm>>
      %dma_start3A_305 = arith.constant 0 : i32
      %dma_start3A_306 = tpu.memref_slice %arg7[%add3A_301, %dma_start3A_305] : memref<1024x16384xf32, #tpu.memory_space<hbm>> -> memref<1x16384xf32, #tpu.memory_space<hbm>>
      %dma_start3A_307 = tpu.memref_squeeze %dma_start3A_306 : memref<1x16384xf32, #tpu.memory_space<hbm>> -> memref<16384xf32, #tpu.memory_space<hbm>>
      tpu.enqueue_dma source(%arg17 : memref<16384xf32, #tpu.memory_space<vmem>>) target(%dma_start3A_307 : memref<16384xf32, #tpu.memory_space<hbm>>) target_semaphore(%arg23 : memref<!tpu.dma_semaphore, #tpu.memory_space<semaphore_mem>>)
      %add3A_308 = arith.constant 2 : i32
      %add3A_309 = arith.addi %add3A_265, %add3A_308 : i32
      %add3A_310 = arith.addi %mul3A_2, %add3A_309 : i32
      %add3A_311 = arith.addi %mul3A_2, %add3A_309 : i32
      %dma_start3A_312 = arith.constant 0 : i32
      %dma_start3A_313 = tpu.memref_slice %arg5[%add3A_310, %dma_start3A_312] : memref<1024x16384xf32, #tpu.memory_space<hbm>> -> memref<1x16384xf32, #tpu.memory_space<hbm>>
      %dma_start3A_314 = tpu.memref_squeeze %dma_start3A_313 : memref<1x16384xf32, #tpu.memory_space<hbm>> -> memref<16384xf32, #tpu.memory_space<hbm>>
      %dma_start3A_315 = arith.constant 0 : i32
      %dma_start3A_316 = tpu.memref_slice %arg5[%add3A_310, %dma_start3A_315] : memref<1024x16384xf32, #tpu.memory_space<hbm>> -> memref<1x16384xf32, #tpu.memory_space<hbm>>
      %dma_start3A_317 = tpu.memref_squeeze %dma_start3A_316 : memref<1x16384xf32, #tpu.memory_space<hbm>> -> memref<16384xf32, #tpu.memory_space<hbm>>
      tpu.enqueue_dma source(%dma_start3A_317 : memref<16384xf32, #tpu.memory_space<hbm>>) target(%arg13 : memref<16384xf32, #tpu.memory_space<vmem>>) target_semaphore(%arg19 : memref<!tpu.dma_semaphore, #tpu.memory_space<semaphore_mem>>)
      %dma_start3A_318 = arith.constant 0 : i32
      %dma_start3A_319 = tpu.memref_slice %arg6[%add3A_311, %dma_start3A_318] : memref<1024x16384xf32, #tpu.memory_space<hbm>> -> memref<1x16384xf32, #tpu.memory_space<hbm>>
      %dma_start3A_320 = tpu.memref_squeeze %dma_start3A_319 : memref<1x16384xf32, #tpu.memory_space<hbm>> -> memref<16384xf32, #tpu.memory_space<hbm>>
      %dma_start3A_321 = arith.constant 0 : i32
      %dma_start3A_322 = tpu.memref_slice %arg6[%add3A_311, %dma_start3A_321] : memref<1024x16384xf32, #tpu.memory_space<hbm>> -> memref<1x16384xf32, #tpu.memory_space<hbm>>
      %dma_start3A_323 = tpu.memref_squeeze %dma_start3A_322 : memref<1x16384xf32, #tpu.memory_space<hbm>> -> memref<16384xf32, #tpu.memory_space<hbm>>
      tpu.enqueue_dma source(%dma_start3A_323 : memref<16384xf32, #tpu.memory_space<hbm>>) target(%arg15 : memref<16384xf32, #tpu.memory_space<vmem>>) target_semaphore(%arg21 : memref<!tpu.dma_semaphore, #tpu.memory_space<semaphore_mem>>)
      %add3A_324 = arith.constant 1 : i32
      %add3A_325 = arith.addi %add3A_265, %add3A_324 : i32
      %add3A_326 = arith.addi %mul3A_2, %add3A_325 : i32
      %add3A_327 = arith.addi %mul3A_2, %add3A_325 : i32
      %dma_wait3A_328 = arith.constant 0 : i32
      %dma_wait3A_329 = tpu.memref_slice %arg5[%add3A_326, %dma_wait3A_328] : memref<1024x16384xf32, #tpu.memory_space<hbm>> -> memref<1x16384xf32, #tpu.memory_space<hbm>>
      %dma_wait3A_330 = tpu.memref_squeeze %dma_wait3A_329 : memref<1x16384xf32, #tpu.memory_space<hbm>> -> memref<16384xf32, #tpu.memory_space<hbm>>
      %dma_wait3A_331 = arith.constant 0 : i32
      %dma_wait3A_332 = tpu.memref_slice %arg5[%add3A_326, %dma_wait3A_331] : memref<1024x16384xf32, #tpu.memory_space<hbm>> -> memref<1x16384xf32, #tpu.memory_space<hbm>>
      %dma_wait3A_333 = tpu.memref_squeeze %dma_wait3A_332 : memref<1x16384xf32, #tpu.memory_space<hbm>> -> memref<16384xf32, #tpu.memory_space<hbm>>
      tpu.wait_dma2 semaphore(%arg20 : memref<!tpu.dma_semaphore, #tpu.memory_space<semaphore_mem>>) src(%dma_wait3A_333 : memref<16384xf32, #tpu.memory_space<hbm>>) dst(%arg14 : memref<16384xf32, #tpu.memory_space<vmem>>)
      %dma_wait3A_334 = arith.constant 0 : i32
      %dma_wait3A_335 = tpu.memref_slice %arg6[%add3A_327, %dma_wait3A_334] : memref<1024x16384xf32, #tpu.memory_space<hbm>> -> memref<1x16384xf32, #tpu.memory_space<hbm>>
      %dma_wait3A_336 = tpu.memref_squeeze %dma_wait3A_335 : memref<1x16384xf32, #tpu.memory_space<hbm>> -> memref<16384xf32, #tpu.memory_space<hbm>>
      %dma_wait3A_337 = arith.constant 0 : i32
      %dma_wait3A_338 = tpu.memref_slice %arg6[%add3A_327, %dma_wait3A_337] : memref<1024x16384xf32, #tpu.memory_space<hbm>> -> memref<1x16384xf32, #tpu.memory_space<hbm>>
      %dma_wait3A_339 = tpu.memref_squeeze %dma_wait3A_338 : memref<1x16384xf32, #tpu.memory_space<hbm>> -> memref<16384xf32, #tpu.memory_space<hbm>>
      tpu.wait_dma2 semaphore(%arg22 : memref<!tpu.dma_semaphore, #tpu.memory_space<semaphore_mem>>) src(%dma_wait3A_339 : memref<16384xf32, #tpu.memory_space<hbm>>) dst(%arg16 : memref<16384xf32, #tpu.memory_space<vmem>>)
      %sub3A_340 = arith.constant 2 : i32
      %sub3A_341 = arith.subi %add3A_325, %sub3A_340 : i32
      %add3A_342 = arith.addi %mul3A_2, %sub3A_341 : i32
      %dma_wait3A_343 = arith.constant 0 : i32
      %dma_wait3A_344 = tpu.memref_slice %arg7[%add3A_342, %dma_wait3A_343] : memref<1024x16384xf32, #tpu.memory_space<hbm>> -> memref<1x16384xf32, #tpu.memory_space<hbm>>
      %dma_wait3A_345 = tpu.memref_squeeze %dma_wait3A_344 : memref<1x16384xf32, #tpu.memory_space<hbm>> -> memref<16384xf32, #tpu.memory_space<hbm>>
      %dma_wait3A_346 = arith.constant 0 : i32
      %dma_wait3A_347 = tpu.memref_slice %arg7[%add3A_342, %dma_wait3A_346] : memref<1024x16384xf32, #tpu.memory_space<hbm>> -> memref<1x16384xf32, #tpu.memory_space<hbm>>
      %dma_wait3A_348 = tpu.memref_squeeze %dma_wait3A_347 : memref<1x16384xf32, #tpu.memory_space<hbm>> -> memref<16384xf32, #tpu.memory_space<hbm>>
      tpu.wait_dma2 semaphore(%arg24 : memref<!tpu.dma_semaphore, #tpu.memory_space<semaphore_mem>>) src(%arg18 : memref<16384xf32, #tpu.memory_space<vmem>>) dst(%dma_wait3A_348 : memref<16384xf32, #tpu.memory_space<hbm>>)
      %broadcast_in_dim3A_349 = arith.constant 16 : i32
      %broadcast_in_dim3A_350 = vector.broadcast %broadcast_in_dim3A_349 : i32 to vector<16xi32>
      %add3A_351 = vector.broadcast %add3A_325 : i32 to vector<16xi32>
      %add3A_352 = arith.addi %broadcast_in_dim3A_350, %add3A_351 : vector<16xi32>
      %gather3A_353 = tpu.vector_load_idx %arg11[%add3A_352] : memref<48xf32, #tpu.memory_space<vmem>>[vector<16xi32>], vector<16xf32>,
      %gather3A_354 = tpu.vector_load_idx %arg12[%add3A_352] : memref<48xf32, #tpu.memory_space<vmem>>[vector<16xi32>], vector<16xf32>,
      %scan3A_355 = arith.constant 0 : i32
      %scan3A_356 = arith.constant 0 : i32
      %scan3A_357 = arith.constant 128 : i32
      %scan3A_358 = arith.addi %scan3A_356, %scan3A_357 : i32
      %scan3A_359 = arith.constant 1 : i32
      scf.for %scan3A_384 = %scan3A_356 to %scan3A_358 step %scan3A_359  : i32 {
        %mul3A_385 = arith.constant 8 : i32
        %mul3A_386 = arith.muli %scan3A_384, %mul3A_385 : i32
        %add3A_387 = arith.constant 0 : i32
        %add3A_388 = arith.addi %mul3A_386, %add3A_387 : i32
        %mul3A_389 = arith.constant 16 : i32
        %mul3A_390 = arith.muli %add3A_388, %mul3A_389 : i32
        %get3A_391 = arith.index_cast %mul3A_390 : i32 to index
        %get3A_392 = tpu.vector_load %arg14[%get3A_391] {strides = array<i32>} : memref<16384xf32, #tpu.memory_space<vmem>>, vector<16xf32>,
        %mul3A_393 = arith.mulf %gather3A_353, %get3A_392 : vector<16xf32>
        %get3A_394 = arith.index_cast %mul3A_390 : i32 to index
        %get3A_395 = tpu.vector_load %arg16[%get3A_394] {strides = array<i32>} : memref<16384xf32, #tpu.memory_space<vmem>>, vector<16xf32>,
        %mul3A_396 = arith.mulf %gather3A_354, %get3A_395 : vector<16xf32>
        %add3A_397 = arith.addf %mul3A_393, %mul3A_396 : vector<16xf32>
        %swap3A_398 = arith.index_cast %mul3A_390 : i32 to index
        %swap3A_399 = tpu.vector_load %arg18[%swap3A_398] {strides = array<i32>} : memref<16384xf32, #tpu.memory_space<vmem>>, vector<16xf32>,
        tpu.vector_store %arg18[%swap3A_398], %add3A_397 {strides = array<i32>} : memref<16384xf32, #tpu.memory_space<vmem>>, vector<16xf32>,
        %mul3A_400 = arith.constant 8 : i32
        %mul3A_401 = arith.muli %scan3A_384, %mul3A_400 : i32
        %add3A_402 = arith.constant 1 : i32
        %add3A_403 = arith.addi %mul3A_401, %add3A_402 : i32
        %mul3A_404 = arith.constant 16 : i32
        %mul3A_405 = arith.muli %add3A_403, %mul3A_404 : i32
        %get3A_406 = arith.index_cast %mul3A_405 : i32 to index
        %get3A_407 = tpu.vector_load %arg14[%get3A_406] {strides = array<i32>} : memref<16384xf32, #tpu.memory_space<vmem>>, vector<16xf32>,
        %mul3A_408 = arith.mulf %gather3A_353, %get3A_407 : vector<16xf32>
        %get3A_409 = arith.index_cast %mul3A_405 : i32 to index
        %get3A_410 = tpu.vector_load %arg16[%get3A_409] {strides = array<i32>} : memref<16384xf32, #tpu.memory_space<vmem>>, vector<16xf32>,
        %mul3A_411 = arith.mulf %gather3A_354, %get3A_410 : vector<16xf32>
        %add3A_412 = arith.addf %mul3A_408, %mul3A_411 : vector<16xf32>
        %swap3A_413 = arith.index_cast %mul3A_405 : i32 to index
        %swap3A_414 = tpu.vector_load %arg18[%swap3A_413] {strides = array<i32>} : memref<16384xf32, #tpu.memory_space<vmem>>, vector<16xf32>,
        tpu.vector_store %arg18[%swap3A_413], %add3A_412 {strides = array<i32>} : memref<16384xf32, #tpu.memory_space<vmem>>, vector<16xf32>,
        %mul3A_415 = arith.constant 8 : i32
        %mul3A_416 = arith.muli %scan3A_384, %mul3A_415 : i32
        %add3A_417 = arith.constant 2 : i32
        %add3A_418 = arith.addi %mul3A_416, %add3A_417 : i32
        %mul3A_419 = arith.constant 16 : i32
        %mul3A_420 = arith.muli %add3A_418, %mul3A_419 : i32
        %get3A_421 = arith.index_cast %mul3A_420 : i32 to index
        %get3A_422 = tpu.vector_load %arg14[%get3A_421] {strides = array<i32>} : memref<16384xf32, #tpu.memory_space<vmem>>, vector<16xf32>,
        %mul3A_423 = arith.mulf %gather3A_353, %get3A_422 : vector<16xf32>
        %get3A_424 = arith.index_cast %mul3A_420 : i32 to index
        %get3A_425 = tpu.vector_load %arg16[%get3A_424] {strides = array<i32>} : memref<16384xf32, #tpu.memory_space<vmem>>, vector<16xf32>,
        %mul3A_426 = arith.mulf %gather3A_354, %get3A_425 : vector<16xf32>
        %add3A_427 = arith.addf %mul3A_423, %mul3A_426 : vector<16xf32>
        %swap3A_428 = arith.index_cast %mul3A_420 : i32 to index
        %swap3A_429 = tpu.vector_load %arg18[%swap3A_428] {strides = array<i32>} : memref<16384xf32, #tpu.memory_space<vmem>>, vector<16xf32>,
        tpu.vector_store %arg18[%swap3A_428], %add3A_427 {strides = array<i32>} : memref<16384xf32, #tpu.memory_space<vmem>>, vector<16xf32>,
        %mul3A_430 = arith.constant 8 : i32
        %mul3A_431 = arith.muli %scan3A_384, %mul3A_430 : i32
        %add3A_432 = arith.constant 3 : i32
        %add3A_433 = arith.addi %mul3A_431, %add3A_432 : i32
        %mul3A_434 = arith.constant 16 : i32
        %mul3A_435 = arith.muli %add3A_433, %mul3A_434 : i32
        %get3A_436 = arith.index_cast %mul3A_435 : i32 to index
        %get3A_437 = tpu.vector_load %arg14[%get3A_436] {strides = array<i32>} : memref<16384xf32, #tpu.memory_space<vmem>>, vector<16xf32>,
        %mul3A_438 = arith.mulf %gather3A_353, %get3A_437 : vector<16xf32>
        %get3A_439 = arith.index_cast %mul3A_435 : i32 to index
        %get3A_440 = tpu.vector_load %arg16[%get3A_439] {strides = array<i32>} : memref<16384xf32, #tpu.memory_space<vmem>>, vector<16xf32>,
        %mul3A_441 = arith.mulf %gather3A_354, %get3A_440 : vector<16xf32>
        %add3A_442 = arith.addf %mul3A_438, %mul3A_441 : vector<16xf32>
        %swap3A_443 = arith.index_cast %mul3A_435 : i32 to index
        %swap3A_444 = tpu.vector_load %arg18[%swap3A_443] {strides = array<i32>} : memref<16384xf32, #tpu.memory_space<vmem>>, vector<16xf32>,
        tpu.vector_store %arg18[%swap3A_443], %add3A_442 {strides = array<i32>} : memref<16384xf32, #tpu.memory_space<vmem>>, vector<16xf32>,
        %mul3A_445 = arith.constant 8 : i32
        %mul3A_446 = arith.muli %scan3A_384, %mul3A_445 : i32
        %add3A_447 = arith.constant 4 : i32
        %add3A_448 = arith.addi %mul3A_446, %add3A_447 : i32
        %mul3A_449 = arith.constant 16 : i32
        %mul3A_450 = arith.muli %add3A_448, %mul3A_449 : i32
        %get3A_451 = arith.index_cast %mul3A_450 : i32 to index
        %get3A_452 = tpu.vector_load %arg14[%get3A_451] {strides = array<i32>} : memref<16384xf32, #tpu.memory_space<vmem>>, vector<16xf32>,
        %mul3A_453 = arith.mulf %gather3A_353, %get3A_452 : vector<16xf32>
        %get3A_454 = arith.index_cast %mul3A_450 : i32 to index
        %get3A_455 = tpu.vector_load %arg16[%get3A_454] {strides = array<i32>} : memref<16384xf32, #tpu.memory_space<vmem>>, vector<16xf32>,
        %mul3A_456 = arith.mulf %gather3A_354, %get3A_455 : vector<16xf32>
        %add3A_457 = arith.addf %mul3A_453, %mul3A_456 : vector<16xf32>
        %swap3A_458 = arith.index_cast %mul3A_450 : i32 to index
        %swap3A_459 = tpu.vector_load %arg18[%swap3A_458] {strides = array<i32>} : memref<16384xf32, #tpu.memory_space<vmem>>, vector<16xf32>,
        tpu.vector_store %arg18[%swap3A_458], %add3A_457 {strides = array<i32>} : memref<16384xf32, #tpu.memory_space<vmem>>, vector<16xf32>,
        %mul3A_460 = arith.constant 8 : i32
        %mul3A_461 = arith.muli %scan3A_384, %mul3A_460 : i32
        %add3A_462 = arith.constant 5 : i32
        %add3A_463 = arith.addi %mul3A_461, %add3A_462 : i32
        %mul3A_464 = arith.constant 16 : i32
        %mul3A_465 = arith.muli %add3A_463, %mul3A_464 : i32
        %get3A_466 = arith.index_cast %mul3A_465 : i32 to index
        %get3A_467 = tpu.vector_load %arg14[%get3A_466] {strides = array<i32>} : memref<16384xf32, #tpu.memory_space<vmem>>, vector<16xf32>,
        %mul3A_468 = arith.mulf %gather3A_353, %get3A_467 : vector<16xf32>
        %get3A_469 = arith.index_cast %mul3A_465 : i32 to index
        %get3A_470 = tpu.vector_load %arg16[%get3A_469] {strides = array<i32>} : memref<16384xf32, #tpu.memory_space<vmem>>, vector<16xf32>,
        %mul3A_471 = arith.mulf %gather3A_354, %get3A_470 : vector<16xf32>
        %add3A_472 = arith.addf %mul3A_468, %mul3A_471 : vector<16xf32>
        %swap3A_473 = arith.index_cast %mul3A_465 : i32 to index
        %swap3A_474 = tpu.vector_load %arg18[%swap3A_473] {strides = array<i32>} : memref<16384xf32, #tpu.memory_space<vmem>>, vector<16xf32>,
        tpu.vector_store %arg18[%swap3A_473], %add3A_472 {strides = array<i32>} : memref<16384xf32, #tpu.memory_space<vmem>>, vector<16xf32>,
        %mul3A_475 = arith.constant 8 : i32
        %mul3A_476 = arith.muli %scan3A_384, %mul3A_475 : i32
        %add3A_477 = arith.constant 6 : i32
        %add3A_478 = arith.addi %mul3A_476, %add3A_477 : i32
        %mul3A_479 = arith.constant 16 : i32
        %mul3A_480 = arith.muli %add3A_478, %mul3A_479 : i32
        %get3A_481 = arith.index_cast %mul3A_480 : i32 to index
        %get3A_482 = tpu.vector_load %arg14[%get3A_481] {strides = array<i32>} : memref<16384xf32, #tpu.memory_space<vmem>>, vector<16xf32>,
        %mul3A_483 = arith.mulf %gather3A_353, %get3A_482 : vector<16xf32>
        %get3A_484 = arith.index_cast %mul3A_480 : i32 to index
        %get3A_485 = tpu.vector_load %arg16[%get3A_484] {strides = array<i32>} : memref<16384xf32, #tpu.memory_space<vmem>>, vector<16xf32>,
        %mul3A_486 = arith.mulf %gather3A_354, %get3A_485 : vector<16xf32>
        %add3A_487 = arith.addf %mul3A_483, %mul3A_486 : vector<16xf32>
        %swap3A_488 = arith.index_cast %mul3A_480 : i32 to index
        %swap3A_489 = tpu.vector_load %arg18[%swap3A_488] {strides = array<i32>} : memref<16384xf32, #tpu.memory_space<vmem>>, vector<16xf32>,
        tpu.vector_store %arg18[%swap3A_488], %add3A_487 {strides = array<i32>} : memref<16384xf32, #tpu.memory_space<vmem>>, vector<16xf32>,
        %mul3A_490 = arith.constant 8 : i32
        %mul3A_491 = arith.muli %scan3A_384, %mul3A_490 : i32
        %add3A_492 = arith.constant 7 : i32
        %add3A_493 = arith.addi %mul3A_491, %add3A_492 : i32
        %mul3A_494 = arith.constant 16 : i32
        %mul3A_495 = arith.muli %add3A_493, %mul3A_494 : i32
        %get3A_496 = arith.index_cast %mul3A_495 : i32 to index
        %get3A_497 = tpu.vector_load %arg14[%get3A_496] {strides = array<i32>} : memref<16384xf32, #tpu.memory_space<vmem>>, vector<16xf32>,
        %mul3A_498 = arith.mulf %gather3A_353, %get3A_497 : vector<16xf32>
        %get3A_499 = arith.index_cast %mul3A_495 : i32 to index
        %get3A_500 = tpu.vector_load %arg16[%get3A_499] {strides = array<i32>} : memref<16384xf32, #tpu.memory_space<vmem>>, vector<16xf32>,
        %mul3A_501 = arith.mulf %gather3A_354, %get3A_500 : vector<16xf32>
        %add3A_502 = arith.addf %mul3A_498, %mul3A_501 : vector<16xf32>
        %swap3A_503 = arith.index_cast %mul3A_495 : i32 to index
        %swap3A_504 = tpu.vector_load %arg18[%swap3A_503] {strides = array<i32>} : memref<16384xf32, #tpu.memory_space<vmem>>, vector<16xf32>,
        tpu.vector_store %arg18[%swap3A_503], %add3A_502 {strides = array<i32>} : memref<16384xf32, #tpu.memory_space<vmem>>, vector<16xf32>,
      }
      %scan3A_360 = arith.constant 128 : i32
      %add3A_361 = arith.addi %mul3A_2, %add3A_325 : i32
      %dma_start3A_362 = arith.constant 0 : i32
      %dma_start3A_363 = tpu.memref_slice %arg7[%add3A_361, %dma_start3A_362] : memref<1024x16384xf32, #tpu.memory_space<hbm>> -> memref<1x16384xf32, #tpu.memory_space<hbm>>
      %dma_start3A_364 = tpu.memref_squeeze %dma_start3A_363 : memref<1x16384xf32, #tpu.memory_space<hbm>> -> memref<16384xf32, #tpu.memory_space<hbm>>
      %dma_start3A_365 = arith.constant 0 : i32
      %dma_start3A_366 = tpu.memref_slice %arg7[%add3A_361, %dma_start3A_365] : memref<1024x16384xf32, #tpu.memory_space<hbm>> -> memref<1x16384xf32, #tpu.memory_space<hbm>>
      %dma_start3A_367 = tpu.memref_squeeze %dma_start3A_366 : memref<1x16384xf32, #tpu.memory_space<hbm>> -> memref<16384xf32, #tpu.memory_space<hbm>>
      tpu.enqueue_dma source(%arg18 : memref<16384xf32, #tpu.memory_space<vmem>>) target(%dma_start3A_367 : memref<16384xf32, #tpu.memory_space<hbm>>) target_semaphore(%arg24 : memref<!tpu.dma_semaphore, #tpu.memory_space<semaphore_mem>>)
      %add3A_368 = arith.constant 2 : i32
      %add3A_369 = arith.addi %add3A_325, %add3A_368 : i32
      %add3A_370 = arith.addi %mul3A_2, %add3A_369 : i32
      %add3A_371 = arith.addi %mul3A_2, %add3A_369 : i32
      %dma_start3A_372 = arith.constant 0 : i32
      %dma_start3A_373 = tpu.memref_slice %arg5[%add3A_370, %dma_start3A_372] : memref<1024x16384xf32, #tpu.memory_space<hbm>> -> memref<1x16384xf32, #tpu.memory_space<hbm>>
      %dma_start3A_374 = tpu.memref_squeeze %dma_start3A_373 : memref<1x16384xf32, #tpu.memory_space<hbm>> -> memref<16384xf32, #tpu.memory_space<hbm>>
      %dma_start3A_375 = arith.constant 0 : i32
      %dma_start3A_376 = tpu.memref_slice %arg5[%add3A_370, %dma_start3A_375] : memref<1024x16384xf32, #tpu.memory_space<hbm>> -> memref<1x16384xf32, #tpu.memory_space<hbm>>
      %dma_start3A_377 = tpu.memref_squeeze %dma_start3A_376 : memref<1x16384xf32, #tpu.memory_space<hbm>> -> memref<16384xf32, #tpu.memory_space<hbm>>
      tpu.enqueue_dma source(%dma_start3A_377 : memref<16384xf32, #tpu.memory_space<hbm>>) target(%arg14 : memref<16384xf32, #tpu.memory_space<vmem>>) target_semaphore(%arg20 : memref<!tpu.dma_semaphore, #tpu.memory_space<semaphore_mem>>)
      %dma_start3A_378 = arith.constant 0 : i32
      %dma_start3A_379 = tpu.memref_slice %arg6[%add3A_371, %dma_start3A_378] : memref<1024x16384xf32, #tpu.memory_space<hbm>> -> memref<1x16384xf32, #tpu.memory_space<hbm>>
      %dma_start3A_380 = tpu.memref_squeeze %dma_start3A_379 : memref<1x16384xf32, #tpu.memory_space<hbm>> -> memref<16384xf32, #tpu.memory_space<hbm>>
      %dma_start3A_381 = arith.constant 0 : i32
      %dma_start3A_382 = tpu.memref_slice %arg6[%add3A_371, %dma_start3A_381] : memref<1024x16384xf32, #tpu.memory_space<hbm>> -> memref<1x16384xf32, #tpu.memory_space<hbm>>
      %dma_start3A_383 = tpu.memref_squeeze %dma_start3A_382 : memref<1x16384xf32, #tpu.memory_space<hbm>> -> memref<16384xf32, #tpu.memory_space<hbm>>
      tpu.enqueue_dma source(%dma_start3A_383 : memref<16384xf32, #tpu.memory_space<hbm>>) target(%arg16 : memref<16384xf32, #tpu.memory_space<vmem>>) target_semaphore(%arg22 : memref<!tpu.dma_semaphore, #tpu.memory_space<semaphore_mem>>)
    }
    %scan3A_153 = arith.constant 14 : i32
    %add3A_154 = arith.constant 32 : i32
    %add3A_155 = arith.addi %mul3A_48, %add3A_154 : i32
    %sub3A = arith.constant 2 : i32
    %sub3A_156 = arith.subi %add3A_155, %sub3A : i32
    %add3A_157 = arith.addi %mul3A_2, %sub3A_156 : i32
    %add3A_158 = arith.addi %mul3A_2, %sub3A_156 : i32
    %dma_wait3A_159 = arith.constant 0 : i32
    %dma_wait3A_160 = tpu.memref_slice %arg5[%add3A_157, %dma_wait3A_159] : memref<1024x16384xf32, #tpu.memory_space<hbm>> -> memref<1x16384xf32, #tpu.memory_space<hbm>>
    %dma_wait3A_161 = tpu.memref_squeeze %dma_wait3A_160 : memref<1x16384xf32, #tpu.memory_space<hbm>> -> memref<16384xf32, #tpu.memory_space<hbm>>
    %dma_wait3A_162 = arith.constant 0 : i32
    %dma_wait3A_163 = tpu.memref_slice %arg5[%add3A_157, %dma_wait3A_162] : memref<1024x16384xf32, #tpu.memory_space<hbm>> -> memref<1x16384xf32, #tpu.memory_space<hbm>>
    %dma_wait3A_164 = tpu.memref_squeeze %dma_wait3A_163 : memref<1x16384xf32, #tpu.memory_space<hbm>> -> memref<16384xf32, #tpu.memory_space<hbm>>
    tpu.wait_dma2 semaphore(%arg19 : memref<!tpu.dma_semaphore, #tpu.memory_space<semaphore_mem>>) src(%dma_wait3A_164 : memref<16384xf32, #tpu.memory_space<hbm>>) dst(%arg13 : memref<16384xf32, #tpu.memory_space<vmem>>)
    %dma_wait3A_165 = arith.constant 0 : i32
    %dma_wait3A_166 = tpu.memref_slice %arg6[%add3A_158, %dma_wait3A_165] : memref<1024x16384xf32, #tpu.memory_space<hbm>> -> memref<1x16384xf32, #tpu.memory_space<hbm>>
    %dma_wait3A_167 = tpu.memref_squeeze %dma_wait3A_166 : memref<1x16384xf32, #tpu.memory_space<hbm>> -> memref<16384xf32, #tpu.memory_space<hbm>>
    %dma_wait3A_168 = arith.constant 0 : i32
    %dma_wait3A_169 = tpu.memref_slice %arg6[%add3A_158, %dma_wait3A_168] : memref<1024x16384xf32, #tpu.memory_space<hbm>> -> memref<1x16384xf32, #tpu.memory_space<hbm>>
    %dma_wait3A_170 = tpu.memref_squeeze %dma_wait3A_169 : memref<1x16384xf32, #tpu.memory_space<hbm>> -> memref<16384xf32, #tpu.memory_space<hbm>>
    tpu.wait_dma2 semaphore(%arg21 : memref<!tpu.dma_semaphore, #tpu.memory_space<semaphore_mem>>) src(%dma_wait3A_170 : memref<16384xf32, #tpu.memory_space<hbm>>) dst(%arg15 : memref<16384xf32, #tpu.memory_space<vmem>>)
    %sub3A_171 = arith.constant 2 : i32
    %sub3A_172 = arith.subi %sub3A_156, %sub3A_171 : i32
    %add3A_173 = arith.addi %mul3A_2, %sub3A_172 : i32
    %dma_wait3A_174 = arith.constant 0 : i32
    %dma_wait3A_175 = tpu.memref_slice %arg7[%add3A_173, %dma_wait3A_174] : memref<1024x16384xf32, #tpu.memory_space<hbm>> -> memref<1x16384xf32, #tpu.memory_space<hbm>>
    %dma_wait3A_176 = tpu.memref_squeeze %dma_wait3A_175 : memref<1x16384xf32, #tpu.memory_space<hbm>> -> memref<16384xf32, #tpu.memory_space<hbm>>
    %dma_wait3A_177 = arith.constant 0 : i32
    %dma_wait3A_178 = tpu.memref_slice %arg7[%add3A_173, %dma_wait3A_177] : memref<1024x16384xf32, #tpu.memory_space<hbm>> -> memref<1x16384xf32, #tpu.memory_space<hbm>>
    %dma_wait3A_179 = tpu.memref_squeeze %dma_wait3A_178 : memref<1x16384xf32, #tpu.memory_space<hbm>> -> memref<16384xf32, #tpu.memory_space<hbm>>
    tpu.wait_dma2 semaphore(%arg23 : memref<!tpu.dma_semaphore, #tpu.memory_space<semaphore_mem>>) src(%arg17 : memref<16384xf32, #tpu.memory_space<vmem>>) dst(%dma_wait3A_179 : memref<16384xf32, #tpu.memory_space<hbm>>)
    %broadcast_in_dim3A_180 = arith.constant 16 : i32
    %broadcast_in_dim3A_181 = vector.broadcast %broadcast_in_dim3A_180 : i32 to vector<16xi32>
    %add3A_182 = vector.broadcast %sub3A_156 : i32 to vector<16xi32>
    %add3A_183 = arith.addi %broadcast_in_dim3A_181, %add3A_182 : vector<16xi32>
    %gather3A_184 = tpu.vector_load_idx %arg11[%add3A_183] : memref<48xf32, #tpu.memory_space<vmem>>[vector<16xi32>], vector<16xf32>,
    %gather3A_185 = tpu.vector_load_idx %arg12[%add3A_183] : memref<48xf32, #tpu.memory_space<vmem>>[vector<16xi32>], vector<16xf32>,
    %scan3A_186 = arith.constant 0 : i32
    %scan3A_187 = arith.constant 0 : i32
    %scan3A_188 = arith.constant 128 : i32
    %scan3A_189 = arith.addi %scan3A_187, %scan3A_188 : i32
    %scan3A_190 = arith.constant 1 : i32
    scf.for %scan3A_261 = %scan3A_187 to %scan3A_189 step %scan3A_190  : i32 {
      %mul3A_262 = arith.constant 8 : i32
      %mul3A_263 = arith.muli %scan3A_261, %mul3A_262 : i32
      %add3A_264 = arith.constant 0 : i32
      %add3A_265 = arith.addi %mul3A_263, %add3A_264 : i32
      %mul3A_266 = arith.constant 16 : i32
      %mul3A_267 = arith.muli %add3A_265, %mul3A_266 : i32
      %get3A_268 = arith.index_cast %mul3A_267 : i32 to index
      %get3A_269 = tpu.vector_load %arg13[%get3A_268] {strides = array<i32>} : memref<16384xf32, #tpu.memory_space<vmem>>, vector<16xf32>,
      %mul3A_270 = arith.mulf %gather3A_184, %get3A_269 : vector<16xf32>
      %get3A_271 = arith.index_cast %mul3A_267 : i32 to index
      %get3A_272 = tpu.vector_load %arg15[%get3A_271] {strides = array<i32>} : memref<16384xf32, #tpu.memory_space<vmem>>, vector<16xf32>,
      %mul3A_273 = arith.mulf %gather3A_185, %get3A_272 : vector<16xf32>
      %add3A_274 = arith.addf %mul3A_270, %mul3A_273 : vector<16xf32>
      %swap3A_275 = arith.index_cast %mul3A_267 : i32 to index
      %swap3A_276 = tpu.vector_load %arg17[%swap3A_275] {strides = array<i32>} : memref<16384xf32, #tpu.memory_space<vmem>>, vector<16xf32>,
      tpu.vector_store %arg17[%swap3A_275], %add3A_274 {strides = array<i32>} : memref<16384xf32, #tpu.memory_space<vmem>>, vector<16xf32>,
      %mul3A_277 = arith.constant 8 : i32
      %mul3A_278 = arith.muli %scan3A_261, %mul3A_277 : i32
      %add3A_279 = arith.constant 1 : i32
      %add3A_280 = arith.addi %mul3A_278, %add3A_279 : i32
      %mul3A_281 = arith.constant 16 : i32
      %mul3A_282 = arith.muli %add3A_280, %mul3A_281 : i32
      %get3A_283 = arith.index_cast %mul3A_282 : i32 to index
      %get3A_284 = tpu.vector_load %arg13[%get3A_283] {strides = array<i32>} : memref<16384xf32, #tpu.memory_space<vmem>>, vector<16xf32>,
      %mul3A_285 = arith.mulf %gather3A_184, %get3A_284 : vector<16xf32>
      %get3A_286 = arith.index_cast %mul3A_282 : i32 to index
      %get3A_287 = tpu.vector_load %arg15[%get3A_286] {strides = array<i32>} : memref<16384xf32, #tpu.memory_space<vmem>>, vector<16xf32>,
      %mul3A_288 = arith.mulf %gather3A_185, %get3A_287 : vector<16xf32>
      %add3A_289 = arith.addf %mul3A_285, %mul3A_288 : vector<16xf32>
      %swap3A_290 = arith.index_cast %mul3A_282 : i32 to index
      %swap3A_291 = tpu.vector_load %arg17[%swap3A_290] {strides = array<i32>} : memref<16384xf32, #tpu.memory_space<vmem>>, vector<16xf32>,
      tpu.vector_store %arg17[%swap3A_290], %add3A_289 {strides = array<i32>} : memref<16384xf32, #tpu.memory_space<vmem>>, vector<16xf32>,
      %mul3A_292 = arith.constant 8 : i32
      %mul3A_293 = arith.muli %scan3A_261, %mul3A_292 : i32
      %add3A_294 = arith.constant 2 : i32
      %add3A_295 = arith.addi %mul3A_293, %add3A_294 : i32
      %mul3A_296 = arith.constant 16 : i32
      %mul3A_297 = arith.muli %add3A_295, %mul3A_296 : i32
      %get3A_298 = arith.index_cast %mul3A_297 : i32 to index
      %get3A_299 = tpu.vector_load %arg13[%get3A_298] {strides = array<i32>} : memref<16384xf32, #tpu.memory_space<vmem>>, vector<16xf32>,
      %mul3A_300 = arith.mulf %gather3A_184, %get3A_299 : vector<16xf32>
      %get3A_301 = arith.index_cast %mul3A_297 : i32 to index
      %get3A_302 = tpu.vector_load %arg15[%get3A_301] {strides = array<i32>} : memref<16384xf32, #tpu.memory_space<vmem>>, vector<16xf32>,
      %mul3A_303 = arith.mulf %gather3A_185, %get3A_302 : vector<16xf32>
      %add3A_304 = arith.addf %mul3A_300, %mul3A_303 : vector<16xf32>
      %swap3A_305 = arith.index_cast %mul3A_297 : i32 to index
      %swap3A_306 = tpu.vector_load %arg17[%swap3A_305] {strides = array<i32>} : memref<16384xf32, #tpu.memory_space<vmem>>, vector<16xf32>,
      tpu.vector_store %arg17[%swap3A_305], %add3A_304 {strides = array<i32>} : memref<16384xf32, #tpu.memory_space<vmem>>, vector<16xf32>,
      %mul3A_307 = arith.constant 8 : i32
      %mul3A_308 = arith.muli %scan3A_261, %mul3A_307 : i32
      %add3A_309 = arith.constant 3 : i32
      %add3A_310 = arith.addi %mul3A_308, %add3A_309 : i32
      %mul3A_311 = arith.constant 16 : i32
      %mul3A_312 = arith.muli %add3A_310, %mul3A_311 : i32
      %get3A_313 = arith.index_cast %mul3A_312 : i32 to index
      %get3A_314 = tpu.vector_load %arg13[%get3A_313] {strides = array<i32>} : memref<16384xf32, #tpu.memory_space<vmem>>, vector<16xf32>,
      %mul3A_315 = arith.mulf %gather3A_184, %get3A_314 : vector<16xf32>
      %get3A_316 = arith.index_cast %mul3A_312 : i32 to index
      %get3A_317 = tpu.vector_load %arg15[%get3A_316] {strides = array<i32>} : memref<16384xf32, #tpu.memory_space<vmem>>, vector<16xf32>,
      %mul3A_318 = arith.mulf %gather3A_185, %get3A_317 : vector<16xf32>
      %add3A_319 = arith.addf %mul3A_315, %mul3A_318 : vector<16xf32>
      %swap3A_320 = arith.index_cast %mul3A_312 : i32 to index
      %swap3A_321 = tpu.vector_load %arg17[%swap3A_320] {strides = array<i32>} : memref<16384xf32, #tpu.memory_space<vmem>>, vector<16xf32>,
      tpu.vector_store %arg17[%swap3A_320], %add3A_319 {strides = array<i32>} : memref<16384xf32, #tpu.memory_space<vmem>>, vector<16xf32>,
      %mul3A_322 = arith.constant 8 : i32
      %mul3A_323 = arith.muli %scan3A_261, %mul3A_322 : i32
      %add3A_324 = arith.constant 4 : i32
      %add3A_325 = arith.addi %mul3A_323, %add3A_324 : i32
      %mul3A_326 = arith.constant 16 : i32
      %mul3A_327 = arith.muli %add3A_325, %mul3A_326 : i32
      %get3A_328 = arith.index_cast %mul3A_327 : i32 to index
      %get3A_329 = tpu.vector_load %arg13[%get3A_328] {strides = array<i32>} : memref<16384xf32, #tpu.memory_space<vmem>>, vector<16xf32>,
      %mul3A_330 = arith.mulf %gather3A_184, %get3A_329 : vector<16xf32>
      %get3A_331 = arith.index_cast %mul3A_327 : i32 to index
      %get3A_332 = tpu.vector_load %arg15[%get3A_331] {strides = array<i32>} : memref<16384xf32, #tpu.memory_space<vmem>>, vector<16xf32>,
      %mul3A_333 = arith.mulf %gather3A_185, %get3A_332 : vector<16xf32>
      %add3A_334 = arith.addf %mul3A_330, %mul3A_333 : vector<16xf32>
      %swap3A_335 = arith.index_cast %mul3A_327 : i32 to index
      %swap3A_336 = tpu.vector_load %arg17[%swap3A_335] {strides = array<i32>} : memref<16384xf32, #tpu.memory_space<vmem>>, vector<16xf32>,
      tpu.vector_store %arg17[%swap3A_335], %add3A_334 {strides = array<i32>} : memref<16384xf32, #tpu.memory_space<vmem>>, vector<16xf32>,
      %mul3A_337 = arith.constant 8 : i32
      %mul3A_338 = arith.muli %scan3A_261, %mul3A_337 : i32
      %add3A_339 = arith.constant 5 : i32
      %add3A_340 = arith.addi %mul3A_338, %add3A_339 : i32
      %mul3A_341 = arith.constant 16 : i32
      %mul3A_342 = arith.muli %add3A_340, %mul3A_341 : i32
      %get3A_343 = arith.index_cast %mul3A_342 : i32 to index
      %get3A_344 = tpu.vector_load %arg13[%get3A_343] {strides = array<i32>} : memref<16384xf32, #tpu.memory_space<vmem>>, vector<16xf32>,
      %mul3A_345 = arith.mulf %gather3A_184, %get3A_344 : vector<16xf32>
      %get3A_346 = arith.index_cast %mul3A_342 : i32 to index
      %get3A_347 = tpu.vector_load %arg15[%get3A_346] {strides = array<i32>} : memref<16384xf32, #tpu.memory_space<vmem>>, vector<16xf32>,
      %mul3A_348 = arith.mulf %gather3A_185, %get3A_347 : vector<16xf32>
      %add3A_349 = arith.addf %mul3A_345, %mul3A_348 : vector<16xf32>
      %swap3A_350 = arith.index_cast %mul3A_342 : i32 to index
      %swap3A_351 = tpu.vector_load %arg17[%swap3A_350] {strides = array<i32>} : memref<16384xf32, #tpu.memory_space<vmem>>, vector<16xf32>,
      tpu.vector_store %arg17[%swap3A_350], %add3A_349 {strides = array<i32>} : memref<16384xf32, #tpu.memory_space<vmem>>, vector<16xf32>,
      %mul3A_352 = arith.constant 8 : i32
      %mul3A_353 = arith.muli %scan3A_261, %mul3A_352 : i32
      %add3A_354 = arith.constant 6 : i32
      %add3A_355 = arith.addi %mul3A_353, %add3A_354 : i32
      %mul3A_356 = arith.constant 16 : i32
      %mul3A_357 = arith.muli %add3A_355, %mul3A_356 : i32
      %get3A_358 = arith.index_cast %mul3A_357 : i32 to index
      %get3A_359 = tpu.vector_load %arg13[%get3A_358] {strides = array<i32>} : memref<16384xf32, #tpu.memory_space<vmem>>, vector<16xf32>,
      %mul3A_360 = arith.mulf %gather3A_184, %get3A_359 : vector<16xf32>
      %get3A_361 = arith.index_cast %mul3A_357 : i32 to index
      %get3A_362 = tpu.vector_load %arg15[%get3A_361] {strides = array<i32>} : memref<16384xf32, #tpu.memory_space<vmem>>, vector<16xf32>,
      %mul3A_363 = arith.mulf %gather3A_185, %get3A_362 : vector<16xf32>
      %add3A_364 = arith.addf %mul3A_360, %mul3A_363 : vector<16xf32>
      %swap3A_365 = arith.index_cast %mul3A_357 : i32 to index
      %swap3A_366 = tpu.vector_load %arg17[%swap3A_365] {strides = array<i32>} : memref<16384xf32, #tpu.memory_space<vmem>>, vector<16xf32>,
      tpu.vector_store %arg17[%swap3A_365], %add3A_364 {strides = array<i32>} : memref<16384xf32, #tpu.memory_space<vmem>>, vector<16xf32>,
      %mul3A_367 = arith.constant 8 : i32
      %mul3A_368 = arith.muli %scan3A_261, %mul3A_367 : i32
      %add3A_369 = arith.constant 7 : i32
      %add3A_370 = arith.addi %mul3A_368, %add3A_369 : i32
      %mul3A_371 = arith.constant 16 : i32
      %mul3A_372 = arith.muli %add3A_370, %mul3A_371 : i32
      %get3A_373 = arith.index_cast %mul3A_372 : i32 to index
      %get3A_374 = tpu.vector_load %arg13[%get3A_373] {strides = array<i32>} : memref<16384xf32, #tpu.memory_space<vmem>>, vector<16xf32>,
      %mul3A_375 = arith.mulf %gather3A_184, %get3A_374 : vector<16xf32>
      %get3A_376 = arith.index_cast %mul3A_372 : i32 to index
      %get3A_377 = tpu.vector_load %arg15[%get3A_376] {strides = array<i32>} : memref<16384xf32, #tpu.memory_space<vmem>>, vector<16xf32>,
      %mul3A_378 = arith.mulf %gather3A_185, %get3A_377 : vector<16xf32>
      %add3A_379 = arith.addf %mul3A_375, %mul3A_378 : vector<16xf32>
      %swap3A_380 = arith.index_cast %mul3A_372 : i32 to index
      %swap3A_381 = tpu.vector_load %arg17[%swap3A_380] {strides = array<i32>} : memref<16384xf32, #tpu.memory_space<vmem>>, vector<16xf32>,
      tpu.vector_store %arg17[%swap3A_380], %add3A_379 {strides = array<i32>} : memref<16384xf32, #tpu.memory_space<vmem>>, vector<16xf32>,
    }
    %scan3A_191 = arith.constant 128 : i32
    %add3A_192 = arith.addi %mul3A_2, %sub3A_156 : i32
    %dma_start3A_193 = arith.constant 0 : i32
    %dma_start3A_194 = tpu.memref_slice %arg7[%add3A_192, %dma_start3A_193] : memref<1024x16384xf32, #tpu.memory_space<hbm>> -> memref<1x16384xf32, #tpu.memory_space<hbm>>
    %dma_start3A_195 = tpu.memref_squeeze %dma_start3A_194 : memref<1x16384xf32, #tpu.memory_space<hbm>> -> memref<16384xf32, #tpu.memory_space<hbm>>
    %dma_start3A_196 = arith.constant 0 : i32
    %dma_start3A_197 = tpu.memref_slice %arg7[%add3A_192, %dma_start3A_196] : memref<1024x16384xf32, #tpu.memory_space<hbm>> -> memref<1x16384xf32, #tpu.memory_space<hbm>>
    %dma_start3A_198 = tpu.memref_squeeze %dma_start3A_197 : memref<1x16384xf32, #tpu.memory_space<hbm>> -> memref<16384xf32, #tpu.memory_space<hbm>>
    tpu.enqueue_dma source(%arg17 : memref<16384xf32, #tpu.memory_space<vmem>>) target(%dma_start3A_198 : memref<16384xf32, #tpu.memory_space<hbm>>) target_semaphore(%arg23 : memref<!tpu.dma_semaphore, #tpu.memory_space<semaphore_mem>>)
    %add3A_199 = arith.constant 32 : i32
    %add3A_200 = arith.addi %mul3A_48, %add3A_199 : i32
    %sub3A_201 = arith.constant 1 : i32
    %sub3A_202 = arith.subi %add3A_200, %sub3A_201 : i32
    %add3A_203 = arith.addi %mul3A_2, %sub3A_202 : i32
    %add3A_204 = arith.addi %mul3A_2, %sub3A_202 : i32
    %dma_wait3A_205 = arith.constant 0 : i32
    %dma_wait3A_206 = tpu.memref_slice %arg5[%add3A_203, %dma_wait3A_205] : memref<1024x16384xf32, #tpu.memory_space<hbm>> -> memref<1x16384xf32, #tpu.memory_space<hbm>>
    %dma_wait3A_207 = tpu.memref_squeeze %dma_wait3A_206 : memref<1x16384xf32, #tpu.memory_space<hbm>> -> memref<16384xf32, #tpu.memory_space<hbm>>
    %dma_wait3A_208 = arith.constant 0 : i32
    %dma_wait3A_209 = tpu.memref_slice %arg5[%add3A_203, %dma_wait3A_208] : memref<1024x16384xf32, #tpu.memory_space<hbm>> -> memref<1x16384xf32, #tpu.memory_space<hbm>>
    %dma_wait3A_210 = tpu.memref_squeeze %dma_wait3A_209 : memref<1x16384xf32, #tpu.memory_space<hbm>> -> memref<16384xf32, #tpu.memory_space<hbm>>
    tpu.wait_dma2 semaphore(%arg20 : memref<!tpu.dma_semaphore, #tpu.memory_space<semaphore_mem>>) src(%dma_wait3A_210 : memref<16384xf32, #tpu.memory_space<hbm>>) dst(%arg14 : memref<16384xf32, #tpu.memory_space<vmem>>)
    %dma_wait3A_211 = arith.constant 0 : i32
    %dma_wait3A_212 = tpu.memref_slice %arg6[%add3A_204, %dma_wait3A_211] : memref<1024x16384xf32, #tpu.memory_space<hbm>> -> memref<1x16384xf32, #tpu.memory_space<hbm>>
    %dma_wait3A_213 = tpu.memref_squeeze %dma_wait3A_212 : memref<1x16384xf32, #tpu.memory_space<hbm>> -> memref<16384xf32, #tpu.memory_space<hbm>>
    %dma_wait3A_214 = arith.constant 0 : i32
    %dma_wait3A_215 = tpu.memref_slice %arg6[%add3A_204, %dma_wait3A_214] : memref<1024x16384xf32, #tpu.memory_space<hbm>> -> memref<1x16384xf32, #tpu.memory_space<hbm>>
    %dma_wait3A_216 = tpu.memref_squeeze %dma_wait3A_215 : memref<1x16384xf32, #tpu.memory_space<hbm>> -> memref<16384xf32, #tpu.memory_space<hbm>>
    tpu.wait_dma2 semaphore(%arg22 : memref<!tpu.dma_semaphore, #tpu.memory_space<semaphore_mem>>) src(%dma_wait3A_216 : memref<16384xf32, #tpu.memory_space<hbm>>) dst(%arg16 : memref<16384xf32, #tpu.memory_space<vmem>>)
    %sub3A_217 = arith.constant 2 : i32
    %sub3A_218 = arith.subi %sub3A_202, %sub3A_217 : i32
    %add3A_219 = arith.addi %mul3A_2, %sub3A_218 : i32
    %dma_wait3A_220 = arith.constant 0 : i32
    %dma_wait3A_221 = tpu.memref_slice %arg7[%add3A_219, %dma_wait3A_220] : memref<1024x16384xf32, #tpu.memory_space<hbm>> -> memref<1x16384xf32, #tpu.memory_space<hbm>>
    %dma_wait3A_222 = tpu.memref_squeeze %dma_wait3A_221 : memref<1x16384xf32, #tpu.memory_space<hbm>> -> memref<16384xf32, #tpu.memory_space<hbm>>
    %dma_wait3A_223 = arith.constant 0 : i32
    %dma_wait3A_224 = tpu.memref_slice %arg7[%add3A_219, %dma_wait3A_223] : memref<1024x16384xf32, #tpu.memory_space<hbm>> -> memref<1x16384xf32, #tpu.memory_space<hbm>>
    %dma_wait3A_225 = tpu.memref_squeeze %dma_wait3A_224 : memref<1x16384xf32, #tpu.memory_space<hbm>> -> memref<16384xf32, #tpu.memory_space<hbm>>
    tpu.wait_dma2 semaphore(%arg24 : memref<!tpu.dma_semaphore, #tpu.memory_space<semaphore_mem>>) src(%arg18 : memref<16384xf32, #tpu.memory_space<vmem>>) dst(%dma_wait3A_225 : memref<16384xf32, #tpu.memory_space<hbm>>)
    %broadcast_in_dim3A_226 = arith.constant 16 : i32
    %broadcast_in_dim3A_227 = vector.broadcast %broadcast_in_dim3A_226 : i32 to vector<16xi32>
    %add3A_228 = vector.broadcast %sub3A_202 : i32 to vector<16xi32>
    %add3A_229 = arith.addi %broadcast_in_dim3A_227, %add3A_228 : vector<16xi32>
    %gather3A_230 = tpu.vector_load_idx %arg11[%add3A_229] : memref<48xf32, #tpu.memory_space<vmem>>[vector<16xi32>], vector<16xf32>,
    %gather3A_231 = tpu.vector_load_idx %arg12[%add3A_229] : memref<48xf32, #tpu.memory_space<vmem>>[vector<16xi32>], vector<16xf32>,
    %scan3A_232 = arith.constant 0 : i32
    %scan3A_233 = arith.constant 0 : i32
    %scan3A_234 = arith.constant 128 : i32
    %scan3A_235 = arith.addi %scan3A_233, %scan3A_234 : i32
    %scan3A_236 = arith.constant 1 : i32
    scf.for %scan3A_261 = %scan3A_233 to %scan3A_235 step %scan3A_236  : i32 {
      %mul3A_262 = arith.constant 8 : i32
      %mul3A_263 = arith.muli %scan3A_261, %mul3A_262 : i32
      %add3A_264 = arith.constant 0 : i32
      %add3A_265 = arith.addi %mul3A_263, %add3A_264 : i32
      %mul3A_266 = arith.constant 16 : i32
      %mul3A_267 = arith.muli %add3A_265, %mul3A_266 : i32
      %get3A_268 = arith.index_cast %mul3A_267 : i32 to index
      %get3A_269 = tpu.vector_load %arg14[%get3A_268] {strides = array<i32>} : memref<16384xf32, #tpu.memory_space<vmem>>, vector<16xf32>,
      %mul3A_270 = arith.mulf %gather3A_230, %get3A_269 : vector<16xf32>
      %get3A_271 = arith.index_cast %mul3A_267 : i32 to index
      %get3A_272 = tpu.vector_load %arg16[%get3A_271] {strides = array<i32>} : memref<16384xf32, #tpu.memory_space<vmem>>, vector<16xf32>,
      %mul3A_273 = arith.mulf %gather3A_231, %get3A_272 : vector<16xf32>
      %add3A_274 = arith.addf %mul3A_270, %mul3A_273 : vector<16xf32>
      %swap3A_275 = arith.index_cast %mul3A_267 : i32 to index
      %swap3A_276 = tpu.vector_load %arg18[%swap3A_275] {strides = array<i32>} : memref<16384xf32, #tpu.memory_space<vmem>>, vector<16xf32>,
      tpu.vector_store %arg18[%swap3A_275], %add3A_274 {strides = array<i32>} : memref<16384xf32, #tpu.memory_space<vmem>>, vector<16xf32>,
      %mul3A_277 = arith.constant 8 : i32
      %mul3A_278 = arith.muli %scan3A_261, %mul3A_277 : i32
      %add3A_279 = arith.constant 1 : i32
      %add3A_280 = arith.addi %mul3A_278, %add3A_279 : i32
      %mul3A_281 = arith.constant 16 : i32
      %mul3A_282 = arith.muli %add3A_280, %mul3A_281 : i32
      %get3A_283 = arith.index_cast %mul3A_282 : i32 to index
      %get3A_284 = tpu.vector_load %arg14[%get3A_283] {strides = array<i32>} : memref<16384xf32, #tpu.memory_space<vmem>>, vector<16xf32>,
      %mul3A_285 = arith.mulf %gather3A_230, %get3A_284 : vector<16xf32>
      %get3A_286 = arith.index_cast %mul3A_282 : i32 to index
      %get3A_287 = tpu.vector_load %arg16[%get3A_286] {strides = array<i32>} : memref<16384xf32, #tpu.memory_space<vmem>>, vector<16xf32>,
      %mul3A_288 = arith.mulf %gather3A_231, %get3A_287 : vector<16xf32>
      %add3A_289 = arith.addf %mul3A_285, %mul3A_288 : vector<16xf32>
      %swap3A_290 = arith.index_cast %mul3A_282 : i32 to index
      %swap3A_291 = tpu.vector_load %arg18[%swap3A_290] {strides = array<i32>} : memref<16384xf32, #tpu.memory_space<vmem>>, vector<16xf32>,
      tpu.vector_store %arg18[%swap3A_290], %add3A_289 {strides = array<i32>} : memref<16384xf32, #tpu.memory_space<vmem>>, vector<16xf32>,
      %mul3A_292 = arith.constant 8 : i32
      %mul3A_293 = arith.muli %scan3A_261, %mul3A_292 : i32
      %add3A_294 = arith.constant 2 : i32
      %add3A_295 = arith.addi %mul3A_293, %add3A_294 : i32
      %mul3A_296 = arith.constant 16 : i32
      %mul3A_297 = arith.muli %add3A_295, %mul3A_296 : i32
      %get3A_298 = arith.index_cast %mul3A_297 : i32 to index
      %get3A_299 = tpu.vector_load %arg14[%get3A_298] {strides = array<i32>} : memref<16384xf32, #tpu.memory_space<vmem>>, vector<16xf32>,
      %mul3A_300 = arith.mulf %gather3A_230, %get3A_299 : vector<16xf32>
      %get3A_301 = arith.index_cast %mul3A_297 : i32 to index
      %get3A_302 = tpu.vector_load %arg16[%get3A_301] {strides = array<i32>} : memref<16384xf32, #tpu.memory_space<vmem>>, vector<16xf32>,
      %mul3A_303 = arith.mulf %gather3A_231, %get3A_302 : vector<16xf32>
      %add3A_304 = arith.addf %mul3A_300, %mul3A_303 : vector<16xf32>
      %swap3A_305 = arith.index_cast %mul3A_297 : i32 to index
      %swap3A_306 = tpu.vector_load %arg18[%swap3A_305] {strides = array<i32>} : memref<16384xf32, #tpu.memory_space<vmem>>, vector<16xf32>,
      tpu.vector_store %arg18[%swap3A_305], %add3A_304 {strides = array<i32>} : memref<16384xf32, #tpu.memory_space<vmem>>, vector<16xf32>,
      %mul3A_307 = arith.constant 8 : i32
      %mul3A_308 = arith.muli %scan3A_261, %mul3A_307 : i32
      %add3A_309 = arith.constant 3 : i32
      %add3A_310 = arith.addi %mul3A_308, %add3A_309 : i32
      %mul3A_311 = arith.constant 16 : i32
      %mul3A_312 = arith.muli %add3A_310, %mul3A_311 : i32
      %get3A_313 = arith.index_cast %mul3A_312 : i32 to index
      %get3A_314 = tpu.vector_load %arg14[%get3A_313] {strides = array<i32>} : memref<16384xf32, #tpu.memory_space<vmem>>, vector<16xf32>,
      %mul3A_315 = arith.mulf %gather3A_230, %get3A_314 : vector<16xf32>
      %get3A_316 = arith.index_cast %mul3A_312 : i32 to index
      %get3A_317 = tpu.vector_load %arg16[%get3A_316] {strides = array<i32>} : memref<16384xf32, #tpu.memory_space<vmem>>, vector<16xf32>,
      %mul3A_318 = arith.mulf %gather3A_231, %get3A_317 : vector<16xf32>
      %add3A_319 = arith.addf %mul3A_315, %mul3A_318 : vector<16xf32>
      %swap3A_320 = arith.index_cast %mul3A_312 : i32 to index
      %swap3A_321 = tpu.vector_load %arg18[%swap3A_320] {strides = array<i32>} : memref<16384xf32, #tpu.memory_space<vmem>>, vector<16xf32>,
      tpu.vector_store %arg18[%swap3A_320], %add3A_319 {strides = array<i32>} : memref<16384xf32, #tpu.memory_space<vmem>>, vector<16xf32>,
      %mul3A_322 = arith.constant 8 : i32
      %mul3A_323 = arith.muli %scan3A_261, %mul3A_322 : i32
      %add3A_324 = arith.constant 4 : i32
      %add3A_325 = arith.addi %mul3A_323, %add3A_324 : i32
      %mul3A_326 = arith.constant 16 : i32
      %mul3A_327 = arith.muli %add3A_325, %mul3A_326 : i32
      %get3A_328 = arith.index_cast %mul3A_327 : i32 to index
      %get3A_329 = tpu.vector_load %arg14[%get3A_328] {strides = array<i32>} : memref<16384xf32, #tpu.memory_space<vmem>>, vector<16xf32>,
      %mul3A_330 = arith.mulf %gather3A_230, %get3A_329 : vector<16xf32>
      %get3A_331 = arith.index_cast %mul3A_327 : i32 to index
      %get3A_332 = tpu.vector_load %arg16[%get3A_331] {strides = array<i32>} : memref<16384xf32, #tpu.memory_space<vmem>>, vector<16xf32>,
      %mul3A_333 = arith.mulf %gather3A_231, %get3A_332 : vector<16xf32>
      %add3A_334 = arith.addf %mul3A_330, %mul3A_333 : vector<16xf32>
      %swap3A_335 = arith.index_cast %mul3A_327 : i32 to index
      %swap3A_336 = tpu.vector_load %arg18[%swap3A_335] {strides = array<i32>} : memref<16384xf32, #tpu.memory_space<vmem>>, vector<16xf32>,
      tpu.vector_store %arg18[%swap3A_335], %add3A_334 {strides = array<i32>} : memref<16384xf32, #tpu.memory_space<vmem>>, vector<16xf32>,
      %mul3A_337 = arith.constant 8 : i32
      %mul3A_338 = arith.muli %scan3A_261, %mul3A_337 : i32
      %add3A_339 = arith.constant 5 : i32
      %add3A_340 = arith.addi %mul3A_338, %add3A_339 : i32
      %mul3A_341 = arith.constant 16 : i32
      %mul3A_342 = arith.muli %add3A_340, %mul3A_341 : i32
      %get3A_343 = arith.index_cast %mul3A_342 : i32 to index
      %get3A_344 = tpu.vector_load %arg14[%get3A_343] {strides = array<i32>} : memref<16384xf32, #tpu.memory_space<vmem>>, vector<16xf32>,
      %mul3A_345 = arith.mulf %gather3A_230, %get3A_344 : vector<16xf32>
      %get3A_346 = arith.index_cast %mul3A_342 : i32 to index
      %get3A_347 = tpu.vector_load %arg16[%get3A_346] {strides = array<i32>} : memref<16384xf32, #tpu.memory_space<vmem>>, vector<16xf32>,
      %mul3A_348 = arith.mulf %gather3A_231, %get3A_347 : vector<16xf32>
      %add3A_349 = arith.addf %mul3A_345, %mul3A_348 : vector<16xf32>
      %swap3A_350 = arith.index_cast %mul3A_342 : i32 to index
      %swap3A_351 = tpu.vector_load %arg18[%swap3A_350] {strides = array<i32>} : memref<16384xf32, #tpu.memory_space<vmem>>, vector<16xf32>,
      tpu.vector_store %arg18[%swap3A_350], %add3A_349 {strides = array<i32>} : memref<16384xf32, #tpu.memory_space<vmem>>, vector<16xf32>,
      %mul3A_352 = arith.constant 8 : i32
      %mul3A_353 = arith.muli %scan3A_261, %mul3A_352 : i32
      %add3A_354 = arith.constant 6 : i32
      %add3A_355 = arith.addi %mul3A_353, %add3A_354 : i32
      %mul3A_356 = arith.constant 16 : i32
      %mul3A_357 = arith.muli %add3A_355, %mul3A_356 : i32
      %get3A_358 = arith.index_cast %mul3A_357 : i32 to index
      %get3A_359 = tpu.vector_load %arg14[%get3A_358] {strides = array<i32>} : memref<16384xf32, #tpu.memory_space<vmem>>, vector<16xf32>,
      %mul3A_360 = arith.mulf %gather3A_230, %get3A_359 : vector<16xf32>
      %get3A_361 = arith.index_cast %mul3A_357 : i32 to index
      %get3A_362 = tpu.vector_load %arg16[%get3A_361] {strides = array<i32>} : memref<16384xf32, #tpu.memory_space<vmem>>, vector<16xf32>,
      %mul3A_363 = arith.mulf %gather3A_231, %get3A_362 : vector<16xf32>
      %add3A_364 = arith.addf %mul3A_360, %mul3A_363 : vector<16xf32>
      %swap3A_365 = arith.index_cast %mul3A_357 : i32 to index
      %swap3A_366 = tpu.vector_load %arg18[%swap3A_365] {strides = array<i32>} : memref<16384xf32, #tpu.memory_space<vmem>>, vector<16xf32>,
      tpu.vector_store %arg18[%swap3A_365], %add3A_364 {strides = array<i32>} : memref<16384xf32, #tpu.memory_space<vmem>>, vector<16xf32>,
      %mul3A_367 = arith.constant 8 : i32
      %mul3A_368 = arith.muli %scan3A_261, %mul3A_367 : i32
      %add3A_369 = arith.constant 7 : i32
      %add3A_370 = arith.addi %mul3A_368, %add3A_369 : i32
      %mul3A_371 = arith.constant 16 : i32
      %mul3A_372 = arith.muli %add3A_370, %mul3A_371 : i32
      %get3A_373 = arith.index_cast %mul3A_372 : i32 to index
      %get3A_374 = tpu.vector_load %arg14[%get3A_373] {strides = array<i32>} : memref<16384xf32, #tpu.memory_space<vmem>>, vector<16xf32>,
      %mul3A_375 = arith.mulf %gather3A_230, %get3A_374 : vector<16xf32>
      %get3A_376 = arith.index_cast %mul3A_372 : i32 to index
      %get3A_377 = tpu.vector_load %arg16[%get3A_376] {strides = array<i32>} : memref<16384xf32, #tpu.memory_space<vmem>>, vector<16xf32>,
      %mul3A_378 = arith.mulf %gather3A_231, %get3A_377 : vector<16xf32>
      %add3A_379 = arith.addf %mul3A_375, %mul3A_378 : vector<16xf32>
      %swap3A_380 = arith.index_cast %mul3A_372 : i32 to index
      %swap3A_381 = tpu.vector_load %arg18[%swap3A_380] {strides = array<i32>} : memref<16384xf32, #tpu.memory_space<vmem>>, vector<16xf32>,
      tpu.vector_store %arg18[%swap3A_380], %add3A_379 {strides = array<i32>} : memref<16384xf32, #tpu.memory_space<vmem>>, vector<16xf32>,
    }
    %scan3A_237 = arith.constant 128 : i32
    %add3A_238 = arith.addi %mul3A_2, %sub3A_202 : i32
    %dma_start3A_239 = arith.constant 0 : i32
    %dma_start3A_240 = tpu.memref_slice %arg7[%add3A_238, %dma_start3A_239] : memref<1024x16384xf32, #tpu.memory_space<hbm>> -> memref<1x16384xf32, #tpu.memory_space<hbm>>
    %dma_start3A_241 = tpu.memref_squeeze %dma_start3A_240 : memref<1x16384xf32, #tpu.memory_space<hbm>> -> memref<16384xf32, #tpu.memory_space<hbm>>
    %dma_start3A_242 = arith.constant 0 : i32
    %dma_start3A_243 = tpu.memref_slice %arg7[%add3A_238, %dma_start3A_242] : memref<1024x16384xf32, #tpu.memory_space<hbm>> -> memref<1x16384xf32, #tpu.memory_space<hbm>>
    %dma_start3A_244 = tpu.memref_squeeze %dma_start3A_243 : memref<1x16384xf32, #tpu.memory_space<hbm>> -> memref<16384xf32, #tpu.memory_space<hbm>>
    tpu.enqueue_dma source(%arg18 : memref<16384xf32, #tpu.memory_space<vmem>>) target(%dma_start3A_244 : memref<16384xf32, #tpu.memory_space<hbm>>) target_semaphore(%arg24 : memref<!tpu.dma_semaphore, #tpu.memory_space<semaphore_mem>>)
    %add3A_245 = arith.constant 30 : i32
    %add3A_246 = arith.addi %mul3A_2, %add3A_245 : i32
    %dma_wait3A_247 = arith.constant 0 : i32
    %dma_wait3A_248 = tpu.memref_slice %arg7[%add3A_246, %dma_wait3A_247] : memref<1024x16384xf32, #tpu.memory_space<hbm>> -> memref<1x16384xf32, #tpu.memory_space<hbm>>
    %dma_wait3A_249 = tpu.memref_squeeze %dma_wait3A_248 : memref<1x16384xf32, #tpu.memory_space<hbm>> -> memref<16384xf32, #tpu.memory_space<hbm>>
    %dma_wait3A_250 = arith.constant 0 : i32
    %dma_wait3A_251 = tpu.memref_slice %arg7[%add3A_246, %dma_wait3A_250] : memref<1024x16384xf32, #tpu.memory_space<hbm>> -> memref<1x16384xf32, #tpu.memory_space<hbm>>
    %dma_wait3A_252 = tpu.memref_squeeze %dma_wait3A_251 : memref<1x16384xf32, #tpu.memory_space<hbm>> -> memref<16384xf32, #tpu.memory_space<hbm>>
    tpu.wait_dma2 semaphore(%arg23 : memref<!tpu.dma_semaphore, #tpu.memory_space<semaphore_mem>>) src(%arg17 : memref<16384xf32, #tpu.memory_space<vmem>>) dst(%dma_wait3A_252 : memref<16384xf32, #tpu.memory_space<hbm>>)
    %add3A_253 = arith.constant 31 : i32
    %add3A_254 = arith.addi %mul3A_2, %add3A_253 : i32
    %dma_wait3A_255 = arith.constant 0 : i32
    %dma_wait3A_256 = tpu.memref_slice %arg7[%add3A_254, %dma_wait3A_255] : memref<1024x16384xf32, #tpu.memory_space<hbm>> -> memref<1x16384xf32, #tpu.memory_space<hbm>>
    %dma_wait3A_257 = tpu.memref_squeeze %dma_wait3A_256 : memref<1x16384xf32, #tpu.memory_space<hbm>> -> memref<16384xf32, #tpu.memory_space<hbm>>
    %dma_wait3A_258 = arith.constant 0 : i32
    %dma_wait3A_259 = tpu.memref_slice %arg7[%add3A_254, %dma_wait3A_258] : memref<1024x16384xf32, #tpu.memory_space<hbm>> -> memref<1x16384xf32, #tpu.memory_space<hbm>>
    %dma_wait3A_260 = tpu.memref_squeeze %dma_wait3A_259 : memref<1x16384xf32, #tpu.memory_space<hbm>> -> memref<16384xf32, #tpu.memory_space<hbm>>
    tpu.wait_dma2 semaphore(%arg24 : memref<!tpu.dma_semaphore, #tpu.memory_space<semaphore_mem>>) src(%arg18 : memref<16384xf32, #tpu.memory_space<vmem>>) dst(%dma_wait3A_260 : memref<16384xf32, #tpu.memory_space<hbm>>)
    return
  }
}

</mosaic_0001>

<sc_bundles>
// kernel: kernel.3.cloned.1.call-start
scs
__scs_entry_jumppad:
0x0: {  	(pc) =	sbr.rel $0x88, $3  }
0x1: {  	(tag) =	ssettag $0x0;
	lr =	simm.s32 $0x1  }
0x2: {  	[smem:$0x3F9E] =	sst lr;
	_ =	strace $0xD0000000  }
0x3: {  	_ = 	snop  }
0x4: {  	_ = 	snop  }
0x5: {  	_ = 	snop  }
0x6: {  	_ = 	snop  }
0x7: {  	_ = 	snop  }
__scs_overlays_trampoline_lowered:
0x8: {  	[smem:$0x3FAD] =	sst s0  }
0x9: {  	[smem:$0x3FAE] =	sst s1  }
0xa: {  	[smem:$0x3FAF] =	sst s2  }
0xb: {  	[smem:$0x3FB0] =	sst s3  }
0xc: {  	[smem:$0x3FB1] =	sst s4  }
0xd: {  	[smem:$0x3FB2] =	sst s5  }
0xe: {  	[smem:$0x3FB3] =	sst s6  }
0xf: {  	[smem:$0x3FB4] =	sst s7  }
0x10: {  	[smem:$0x3FB5] =	sst s8  }
0x11: {  	[smem:$0x3FB6] =	sst s9;
	s0 =	simm.s32 @!p0 $0x0  }
0x12: {  	s1 =	sld [smem:$0x3F9C];
	s0 =	simm.s32 @p0 $0x1  }
0x13: {  	[smem:$0x3FB7] =	sst s0;
	s0 =	simm.s32 @!p1 $0x0  }
0x14: {  	s2 =	sld [smem:$0x3F9B];
	s0 =	simm.s32 @p1 $0x1  }
0x15: {  	[smem:$0x3FB8] =	sst s0;
	s0 =	simm.s32 @!p2 $0x0  }
0x16: {  	s3 =	sld [smem:$0x3FDB];
	s0 =	simm.s32 @p2 $0x1  }
0x17: {  	s4 =	simm.s32 $0x1BF5;
	[smem:$0x3FBA] =	sst s0  }
0x18: {  	s0 =	sld [smem:$0x3F9D];
	_ =	swait.ge [sflag:s4], $0x0  }
0x19: {  	s7 =	sld [smem:$0x3F9E]  }
0x1a: {  	s8 =	sadd.s32 $0xFFFFE003, lr  }
0x1b: {  	s9 =	sadd.s32 $0xFFFFFEF7, lr;
	s5 =	simm.s32 $0xFFFFFFFF;
	p2 =	slt.u32 s8, $0xFFFFF086  }
0x1c: {  	p1 =	slt.u32 s9, $0xF7A;
	s5 =	simm.s32 @!p2 $0x0  }
0x1d: {  	s5 =	simm.s32 @p1 $0x1;
	p0 =	seq.s32 s7, s2  }
0x1e: {  	s7 =	smul.u32 @!p0 $0xF7A, s2;
	p2 =	seq.s32 @!p0 s5, $0x0  }
0x1f: {  	s9 =	smul.u32 $0xF7A, s1;
	s8 =	simm.s32 @!p0 $0x1BF5;
	p2 =	por !p2, p0  }
0x20: {  	[sflag:s8] =	ssyncset.s32 @!p0 $0xFFFFF086;
	s6 =	sadd.s32 @!p0 s3, s7;
	s7 =	simm.s32 @!p0 $0x108  }
0x21: {  	s3 =	sadd.s32 s3, s9;
	s6 =	sadd.s32 @!p0 $0x88, s6;
	s7 =	simm.s32 @p2 $0x1082  }
0x22: {  	[simem:s7], [sflag:s8] =	dma.local @!p0 [hbm:s6], $0xF7A  }
0x23: {  	s9 =	sor.u32 $0xD0000000, s2;
	s6 =	simm.s32 $0x108;
	_ =	swait.ge @!p0 [sflag:s8], $0x0  }
0x24: {  	s3 =	sadd.s32 $0x88, s3;
	s6 =	simm.s32 @!p1 $0x1082;
	[sflag:s4] =	ssyncset.s32 $0xFFFFF086  }
0x25: {  	[simem:s6], [sflag:s4] =	dma.local [hbm:s3], $0xF7A  }
0x26: {  	[smem:$0x3F9E] =	sst s1;
	(tag) =	ssettag s2;
	_ =	strace s9  }
0x27: {  	s1 =	sld [smem:$0x3FAE]  }
0x28: {  	s2 =	sld [smem:$0x3FAF]  }
0x29: {  	s4 =	sld [smem:$0x3FB1]  }
0x2a: {  	p0 =	seq.s32 s5, $0x0;
	s5 =	sld [smem:$0x3FB2]  }
0x2b: {  	s6 =	sld [smem:$0x3FB3]  }
0x2c: {  	s7 =	sld [smem:$0x3FB4]  }
0x2d: {  	s3 =	simm.s32 $0x108;
	s8 =	sld [smem:$0x3FB5]  }
0x2e: {  	s3 =	simm.s32 @!p0 $0x1082;
	s9 =	sld [smem:$0x3FB6]  }
0x2f: {  	lr =	sadd.s32 s0, s3;
	s0 =	sld [smem:$0x3FAD]  }
0x30: {  	s3 =	sld [smem:$0x3FB0]  }
0x31: {  	[smem:$0x3FB9] =	sst s10  }
0x32: {  	s10 =	sld [smem:$0x3FB7];
	_ =	sdelay $0x3  }
0x33: {  	p0 =	seq.s32 s10, $0x1;
	s10 =	sld [smem:$0x3FB9];
	_ =	sdelay $0x3  }
0x34: {  	[smem:$0x3FB9] =	sst s10  }
0x35: {  	s10 =	sld [smem:$0x3FB8];
	_ =	sdelay $0x3  }
0x36: {  	p1 =	seq.s32 s10, $0x1;
	s10 =	sld [smem:$0x3FB9];
	_ =	sdelay $0x3  }
0x37: {  	[smem:$0x3FB9] =	sst s10  }
0x38: {  	s10 =	sld [smem:$0x3FBA]  }
0x39: {  	_ = 	snop;
	(pc) =	sbr.ind lr, $3  }
0x3a: {  	_ = 	snop  }
0x3b: {  	_ = 	snop  }
0x3c: {  	p2 =	seq.s32 s10, $0x1;
	s10 =	sld [smem:$0x3FB9]  }
0x3d: {  	_ =	shalt  }
0x3e: {  	_ =	shalt  }
0x3f: {  	_ =	shalt  }
0x40: {  	_ =	shalt  }
0x41: {  	_ =	shalt  }
0x42: {  	_ =	shalt  }
0x43: {  	_ =	shalt  }
0x44: {  	_ =	shalt  }
0x45: {  	_ =	shalt  }
0x46: {  	_ =	shalt  }
0x47: {  	_ =	shalt  }
0x48: {  	_ =	shalt  }
0x49: {  	_ =	shalt  }
0x4a: {  	_ =	shalt  }
0x4b: {  	_ =	shalt  }
0x4c: {  	_ =	shalt  }
0x4d: {  	_ =	shalt  }
0x4e: {  	_ =	shalt  }
0x4f: {  	_ =	shalt  }
0x50: {  	_ =	shalt  }
0x51: {  	_ =	shalt  }
0x52: {  	_ =	shalt  }
0x53: {  	_ =	shalt  }
0x54: {  	_ =	shalt  }
0x55: {  	_ =	shalt  }
0x56: {  	_ =	shalt  }
0x57: {  	_ =	shalt  }
0x58: {  	_ =	shalt  }
0x59: {  	_ =	shalt  }
0x5a: {  	_ =	shalt  }
0x5b: {  	_ =	shalt  }
0x5c: {  	_ =	shalt  }
0x5d: {  	_ =	shalt  }
0x5e: {  	_ =	shalt  }
0x5f: {  	_ =	shalt  }
0x60: {  	_ =	shalt  }
0x61: {  	_ =	shalt  }
0x62: {  	_ =	shalt  }
0x63: {  	_ =	shalt  }
0x64: {  	_ =	shalt  }
0x65: {  	_ =	shalt  }
0x66: {  	_ =	shalt  }
0x67: {  	_ =	shalt  }
0x68: {  	_ =	shalt  }
0x69: {  	_ =	shalt  }
0x6a: {  	_ =	shalt  }
0x6b: {  	_ =	shalt  }
0x6c: {  	_ =	shalt  }
0x6d: {  	_ =	shalt  }
0x6e: {  	_ =	shalt  }
0x6f: {  	_ =	shalt  }
0x70: {  	_ =	shalt  }
0x71: {  	_ =	shalt  }
0x72: {  	_ =	shalt  }
0x73: {  	_ =	shalt  }
0x74: {  	_ =	shalt  }
0x75: {  	_ =	shalt  }
0x76: {  	_ =	shalt  }
0x77: {  	_ =	shalt  }
0x78: {  	_ =	shalt  }
0x79: {  	_ =	shalt  }
0x7a: {  	_ =	shalt  }
0x7b: {  	_ =	shalt  }
0x7c: {  	_ =	shalt  }
0x7d: {  	_ =	shalt  }
0x7e: {  	_ =	shalt  }
0x7f: {  	_ =	shalt  }
0x80: {  	_ =	shalt  }
0x81: {  	_ =	shalt  }
0x82: {  	_ =	shalt  }
0x83: {  	_ =	shalt  }
0x84: {  	_ =	shalt  }
0x85: {  	_ =	shalt  }
0x86: {  	_ =	shalt  }
0x87: {  	_ =	shalt  }
.Lfunc_end0:
.L_simem_size_0:
called_computation_lowered:
.L_overlay_start_0:
0x88: {  	s2 =	sld [smem:$0x3FD9]  }
0x89: {  	s3 =	sld [smem:$0x3FFE];
	_ =	sdelay $0x1  }
0x8a: {  	s1 =	srdreg.scid  }
0x8b: {  	s0 =	sand.u32 $0x1, s1  }
0x8c: {  	s17 =	sshll.u32 s0, $0xA;
	s2 =	sadd.s32 s3, s2  }
0x8d: {  	s2 =	sadd.s32 s2, s17  }
0x8e: {  	[smem:$0x3FC5] =	sst s2  }
0x8f: {  	_ = 	snop  }
0x90: {  	s2 =	sld [smem:$0x3FC8]  }
0x91: {  	s18 =	sld [smem:$0x3FD0];
	(tm) =	ssettm $0x1  }
0x92: {  	s4 =	sld [smem:$0x3FFB];
	_ =	sdelay $0x3  }
0x93: {  	_ =	strace s4  }
0x94: {  	s4 =	sld [smem:$0x3FFC];
	_ =	sdelay $0x3  }
0x95: {  	_ =	strace s4  }
0x96: {  	s4 =	sld [smem:$0x3FFD];
	_ =	sdelay $0x3  }
0x97: {  	_ =	strace s4  }
0x98: {  	_ =	strace $0x8FFFFFFF  }
0x99: {  	s19 =	sld [smem:$0x3FDB];
	_ =	sdelay $0x1  }
0x9a: {  	s5 =	simm.s32 $_scs_section_size  }
0x9b: {  	s6 =	simm.s32 $_size__tile_overlayer_lowered;
	s7 =	simm.s32 $_tile_overlayer_lowered  }
0x9c: {  	s22 =	simm.s32 $0x1BFF;
	s21 =	sshll.u32 s7, $0x1;
	s4 =	sadd.s32 s5, s19  }
0x9d: {  	s8 =	simm.s32 $0x0;
	s20 =	sshll.u32 s6, $0x1;
	s6 =	sadd.s32 s21, s4  }
0x9e: {  	[timem:s8], [sflag:s22] =	dma.local [hbm:s6], s20  }
0x9f: {  	_ =	swait.ge [sflag:s22], s20  }
0xa0: {  	s5 =	ssub.s32 $0x0, s20;
	[sflag:s22] =	ssyncset.done $0x0  }
0xa1: {  	[sflag:s22] =	ssyncadd.s32 s5;
	_ =	sdelay $0x1  }
0xa2: {  	s23 =	simm.s32 $0x1B8B  }
0xa3: {  	_ =	swait.ge [sflag:s23], $0x1  }
0xa4: {  	[sflag:s23] =	ssyncset.done $0x0  }
0xa5: {  	s25 =	simm.s32 $0x1B8E;
	s24 =	sld [smem:$0x3FFE];
	[sflag:s23] =	ssyncadd.s32 $0xFFFFFFFF  }
0xa6: {  	s26 =	simm.s32 $execute0_lowered;
	[smem:$0x3FD2] =	sst s25  }
0xa7: {  	s6 =	sshll.u32 s26, $0x1;
	_ =	strace $0x80000046;
	[dreg:$0x1] =	wrdreg $0xFFFFFFFF  }
0xa8: {  	s28 =	simm.s32 $_size_execute0_lowered;
	s4 =	sadd.s32 s4, s6;
	[dreg:$0x0] =	wrdreg $0x0  }
0xa9: {  	s6 =	sshll.u32 s28, $0x1;
	[dreg:$0x2] =	wrdreg s4  }
0xaa: {  	[dreg:$0x3] =	wrdreg s6  }
0xab: {  	[dreg:$0x4] =	wrdreg $0xC0  }
0xac: {  	_ =	task [dreg:s8], $0x5FFFF  }
0xad: {  	[dreg:$0x1] =	wrdreg $0xFFFFFFFF  }
0xae: {  	[dreg:$0x0] =	wrdreg $0x60  }
0xaf: {  	[dreg:$0x2] =	wrdreg s2  }
0xb0: {  	[dreg:$0x3] =	wrdreg s24  }
0xb1: {  	[dreg:$0x4] =	wrdreg s18  }
0xb2: {  	[dreg:$0x5] =	wrdreg $0x9  }
0xb3: {  	_ =	task.clear_ibuf [dreg:s8], $0x6FFFF;
	_ =	strace $0x90000046  }
0xb4: {  	s29 =	simm.s32 $0x9;
	_ =	strace $0x80000048  }
0xb5: {  	_ =	swait.ge [sflag:s29], $0x1  }
0xb6: {  	[sflag:s29] =	ssyncadd.s32 $0xFFFFFFFF  }
0xb7: {  	_ =	strace $0x90000048  }
0xb8: {  	_ =	sfence  }
0xb9: {  	s30 =	sld [smem:$0x0];
	_ =	sdelay $0x2  }
0xba: {  	s31 =	sshll.u32 s1, $0xD;
	s1 =	sshrl.u32 s1, $0x2  }
0xbb: {  	s3 =	sand.u32 $0x4000, s31;
	s1 =	sadd.s32 s1, s30  }
0xbc: {  	s0 =	sor.u32 s3, s0;
	s1 =	sshll.u32 s1, $0x11  }
0xbd: {  	s0 =	sor.u32 s1, s0  }
0xbe: {  	s0 =	sadd.s32 $0x8F2B, s0  }
0xbf: {  	[sflag:s0] =	ssyncadd.remote.s32 $0x1  }
0xc0: {  	_ =	sfence.sel $0xFFFF  }
0xc1: {  	[dreg:$0x0] =	wrdreg $0xFFFFFFFF;
	(pc) =	sbr.abs _section_cstart, $3  }
0xc2: {  	[dreg:$0x1] =	wrdreg $0xFFFFFFFF  }
0xc3: {  	_ =	task.clear_ibuf [dreg:s8], $0x2FFFF;
	_ =	strace $0x9FFFFFFF  }
0xc4: {  	(tm) =	ssettm $0x7FFFFFFF  }
0xc5: {  	_ =	shalt  }
tec
execute0_lowered:
.L_overlay_start_1:
0x0: {  	(tag) =	ssettag $0x1  }
0x1: {  	s0 =	rddreg [dreg:$0x0]  }
0x2: {  	s7 =	rddreg [dreg:$0x1]  }
0x3: {  	s2 =	rddreg [dreg:$0x2];
	s3 =	simm.s32 $0x0  }
0x4: {  	s12 =	srdreg.scid;
	s5 =	stileid.u32;
	s28 =	simm.s32 $0x980  }
0x5: {  	s29 =	simm.s32 $0x8980;
	s30 =	simm.s32 $0x4980;
	s31 =	simm.s32 $0xC980  }
0x6: {  	s10 =	simm.s32 $0x2;
	[smem:$0x7FF] =	sst s3;
	s1 =	sadd.s32 $0x200, s7  }
0x7: {  	_ =	strace $0x80000047;
	[dreg:$0x4] =	wrdreg s1;
	s1 =	sand.u32 $0x1, s12  }
0x8: {  	s5 =	sshll.u32 s5, $0x6;
	s4 =	ssub.s32 $0x2, s1;
	s1 =	sshll.u32 s1, $0x5  }
0x9: {  	s11 =	simm.s32 $0x4;
	s6 =	sadd.s32 $0x400, s7;
	s8 =	sor.u32 s1, s5  }
0xa: {  	s7 =	sadd.s32 $0x200400, s7;
	s12 =	simm.s32 $0x14980;
	s14 =	sshrl.u32 s8, $0x3  }
0xb: {  	s9 =	sshrl.u32 s4, $0x1;
	s5 =	sshll.u32 s8, $0xB;
	s0 =	sadd.s32 s0, s14  }
0xc: {  	s1 =	simm.s32 $0x880;
	s15 =	sadd.s32 s2, s5;
	[dreg:$0x5] =	wrdreg s0  }
0xd: {  	s13 =	ssub.s32 s4, s9;
	s17 =	sadd.s32 s6, s5;
	[dreg:$0x6] =	wrdreg s15  }
0xe: {  	s16 =	sor.u32 $0x10, s5;
	s26 =	smax.u32 s13, $0x1;
	[dreg:$0x7] =	wrdreg s17  }
0xf: {  	s9 =	simm.s32 $0x10980;
	s18 =	sadd.s32 s2, s16;
	[dreg:$0x11] =	wrdreg s26  }
0x10: {  	s19 =	sor.u32 $0x20, s5;
	s20 =	sadd.s32 s6, s16;
	[dreg:$0x8] =	wrdreg s18  }
0x11: {  	s14 =	sadd.s32 s7, s5;
	s21 =	sadd.s32 s2, s19;
	[dreg:$0x9] =	wrdreg s20  }
0x12: {  	s22 =	sor.u32 $0x30, s5;
	s4 =	sadd.s32 s6, s19;
	[dreg:$0xa] =	wrdreg s21  }
0x13: {  	s5 =	simm.s32 $0x900;
	s0 =	sadd.s32 s7, s16;
	[dreg:$0xb] =	wrdreg s4  }
0x14: {  	s13 =	simm.s32 $0x5;
	s23 =	sadd.s32 s2, s22;
	[dreg:$0xc] =	wrdreg s0  }
0x15: {  	s24 =	sadd.s32 $0xC060, s14;
	s25 =	sadd.s32 $0xC070, s14;
	[dreg:$0xd] =	wrdreg s23  }
0x16: {  	s26 =	simm.s32 $0x400;
	s15 =	simm.s32 $0x6;
	[dreg:$0xf] =	wrdreg s24  }
0x17: {  	s16 =	simm.s32 $0x0;
	s0 =	sadd.s32 s6, s22;
	[dreg:$0x10] =	wrdreg s25  }
0x18: {  	v0 =	vimm.s32 $0x10;
	s23 =	simm.s32 $0x7;
	s24 =	simm.s32 $0x80;
	s25 =	simm.s32 $0x480  }
0x19: {  	v1 =	vimm.s32 $0x11;
	v2 =	vimm.s32 $0x2E;
	v3 =	vimm.s32 $0x2F;
	s4 =	simm.s32 $0x3;
	[dreg:$0xe] =	wrdreg s0;
	s0 =	simm.s32 $0x1  }
.LBB2_1:
0x1a: {  	s17 =	rddreg [dreg:$0x5]  }
0x1b: {  	[tilespmem:s3], [sflag:$0x7] =	stream.linear.gather [hbm4b:s17+s3], $0x20, $0x38;
	[tilespmem:$0x18980] =	vst v63  }
0x1c: {  	_ =	swait.ge [sflag:s23], $0x20  }
0x1d: {  	[sflag:s23] =	ssyncset.done $0x0  }
0x1e: {  	s22 =	rddreg [dreg:$0x4];
	[sflag:s23] =	ssyncadd.s32 $0xFFFFFFE0  }
0x1f: {  	[tilespmem:s24], [sflag:$0x7] =	stream.linear.gather [hbm4b:s22+s3], $0x400, $0x38;
	[tilespmem:$0x18980] =	vst v63  }
0x20: {  	_ =	swait.ge [sflag:s23], $0x400  }
0x21: {  	[sflag:s23] =	ssyncset.done $0x0  }
0x22: {  	[sflag:s23] =	ssyncadd.s32 $0xFFFFFC00  }
0x23: {  	s18 =	rddreg [dreg:$0x1]  }
0x24: {  	[tilespmem:s25], [sflag:$0x7] =	stream.linear.gather [hbm4b:s18+s3], $0x400, $0x38;
	[tilespmem:$0x18980] =	vst v63  }
0x25: {  	_ =	swait.ge [sflag:s23], $0x400  }
0x26: {  	[sflag:s23] =	ssyncset.done $0x0  }
0x27: {  	s19 =	rddreg [dreg:$0x6];
	[sflag:s23] =	ssyncadd.s32 $0xFFFFFC00  }
0x28: {  	[tilespmem:s28], [sflag:$0x1] =	stream.strided.gather [hbm4b:s19+s24], $0x4000, s26, s24, $0x38;
	[tilespmem:$0x18980] =	vst v63  }
0x29: {  	s20 =	rddreg [dreg:$0x7]  }
0x2a: {  	[tilespmem:s29], [sflag:$0x3] =	stream.strided.gather [hbm4b:s20+s24], $0x4000, s26, s24, $0x38;
	[tilespmem:$0x18980] =	vst v63  }
0x2b: {  	s21 =	rddreg [dreg:$0x8]  }
0x2c: {  	[tilespmem:s30], [sflag:$0x2] =	stream.strided.gather [hbm4b:s21+s24], $0x4000, s26, s24, $0x38;
	[tilespmem:$0x18980] =	vst v63  }
0x2d: {  	s22 =	rddreg [dreg:$0x9]  }
0x2e: {  	[tilespmem:s31], [sflag:$0x4] =	stream.strided.gather [hbm4b:s22+s24], $0x4000, s26, s24, $0x38;
	[tilespmem:$0x18980] =	vst v63  }
0x2f: {  	v4 =	vld [tilespmem:$0x0];
	_ =	sdelay $0x7  }
0x30: {  	v5 =	vld.idx.msk [tilespmem:v4+s24+$0x0], $0xffff;
	_ =	sdelay $0x3  }
0x31: {  	v6 =	vld [tilespmem:$0x10]  }
0x32: {  	[tilespmem:$0x890] =	vst v5  }
0x33: {  	v4 =	vld.idx.msk [tilespmem:v4+s25+$0x0], $0xffff;
	_ =	sdelay $0x4  }
0x34: {  	[tilespmem:$0x910] =	vst v4  }
0x35: {  	v4 =	vld.idx.msk [tilespmem:v6+s24+$0x0], $0xffff;
	_ =	sdelay $0x4  }
0x36: {  	[tilespmem:$0x8A0] =	vst v4  }
0x37: {  	v4 =	vld.idx.msk [tilespmem:v6+s25+$0x0], $0xffff;
	_ =	sdelay $0x4  }
0x38: {  	[tilespmem:$0x920] =	vst v4  }
0x39: {  	_ =	swait.ge [sflag:s0], $0x4000  }
0x3a: {  	[sflag:s0] =	ssyncset.done $0x0  }
0x3b: {  	[sflag:s0] =	ssyncadd.s32 $0xFFFFC000  }
0x3c: {  	_ =	swait.ge [sflag:s4], $0x4000  }
0x3d: {  	[sflag:s4] =	ssyncset.done $0x0  }
0x3e: {  	[sflag:s4] =	ssyncadd.s32 $0xFFFFC000  }
0x3f: {  	v4 =	vld.idx.msk [tilespmem:v0+s1+$0x0], $0xffff  }
0x40: {  	s17 =	simm.s32 $0x0;
	v5 =	vld.idx.msk [tilespmem:v0+s5+$0x0], $0xffff  }
0x41: {  	v6 =	vld [tilespmem:s17+$0x9F0]  }
0x42: {  	v7 =	vld [tilespmem:s17+$0x89F0]  }
0x43: {  	v8 =	vld [tilespmem:s17+$0x980]  }
0x44: {  	v9 =	vld [tilespmem:s17+$0x8980]  }
0x45: {  	v10 =	vld [tilespmem:s17+$0x990]  }
0x46: {  	v11 =	vld [tilespmem:s17+$0x8990]  }
0x47: {  	v12 =	vld [tilespmem:s17+$0x9A0]  }
0x48: {  	v13 =	vld [tilespmem:s17+$0x89A0];
	v6 =	vmul.f32 v6, v4;
	v7 =	vmul.f32 v7, v5  }
0x49: {  	v14 =	vld [tilespmem:s17+$0x9B0]  }
0x4a: {  	v15 =	vld [tilespmem:s17+$0x89B0];
	v8 =	vmul.f32 v8, v4;
	v9 =	vmul.f32 v9, v5;
	v6 =	vadd.f32 v7, v6  }
0x4b: {  	v16 =	vld [tilespmem:s17+$0x9C0]  }
0x4c: {  	v17 =	vld [tilespmem:s17+$0x89C0];
	v7 =	vadd.f32 v9, v8;
	v8 =	vmul.f32 v11, v5;
	[tilespmem:s17+$0x109F0] =	vst v6;
	v6 =	vmul.f32 v10, v4  }
0x4d: {  	v9 =	vld [tilespmem:s17+$0x9D0];
	v11 =	vmul.f32 v13, v5;
	v10 =	vmul.f32 v12, v4  }
0x4e: {  	[tilespmem:s17+$0x10980] =	vst v7;
	v7 =	vld [tilespmem:s17+$0x89D0];
	v6 =	vadd.f32 v8, v6  }
0x4f: {  	v12 =	vmul.f32 v14, v4;
	v14 =	vmul.f32 v15, v5;
	v8 =	vld [tilespmem:s17+$0x9E0];
	v13 =	vadd.f32 v11, v10  }
0x50: {  	s18 =	simm.s32 $0x80;
	v10 =	vld [tilespmem:s17+$0x89E0];
	[tilespmem:s17+$0x10990] =	vst v6  }
0x51: {  	s19 =	simm.s32 $0x400;
	v11 =	vmul.f32 v16, v4;
	v12 =	vadd.f32 v14, v12;
	v6 =	vld [tilespmem:s18+$0x9F0];
	[tilespmem:s17+$0x109A0] =	vst v13;
	v13 =	vmul.f32 v17, v5  }
.LBB2_2:
0x52: {  	p0 =	sne.s32 s19, $0xFE00;
	v14 =	vld [tilespmem:s18+$0x89F0];
	v9 =	vmul.f32 v9, v4  }
0x53: {  	v15 =	vld [tilespmem:s18+$0x980];
	[tilespmem:s17+$0x109B0] =	vst v12;
	v11 =	vadd.f32 v13, v11;
	v7 =	vmul.f32 v7, v5  }
0x54: {  	v12 =	vld [tilespmem:s18+$0x8980];
	v8 =	vmul.f32 v8, v4  }
0x55: {  	v13 =	vld [tilespmem:s18+$0x990];
	[tilespmem:s17+$0x109C0] =	vst v11;
	v7 =	vadd.f32 v7, v9;
	v9 =	vmul.f32 v10, v5  }
0x56: {  	v10 =	vld [tilespmem:s18+$0x8990]  }
0x57: {  	v6 =	vmul.f32 v6, v4;
	v11 =	vld [tilespmem:s18+$0x9A0];
	v14 =	vmul.f32 v14, v5;
	[tilespmem:s17+$0x109D0] =	vst v7;
	v7 =	vadd.f32 v9, v8  }
0x58: {  	v8 =	vmul.f32 v15, v4;
	v9 =	vld [tilespmem:s18+$0x89A0]  }
0x59: {  	v12 =	vmul.f32 v12, v5;
	v15 =	vld [tilespmem:s18+$0x9B0];
	v6 =	vadd.f32 v14, v6;
	[tilespmem:s17+$0x109E0] =	vst v7;
	s17 =	smov.u32 s18  }
0x5a: {  	v7 =	vmul.f32 v13, v4;
	v13 =	vld [tilespmem:s17+$0x89B0]  }
0x5b: {  	v8 =	vadd.f32 v12, v8;
	v10 =	vmul.f32 v10, v5;
	v12 =	vld [tilespmem:s17+$0x9C0];
	[tilespmem:s17+$0x109F0] =	vst v6  }
0x5c: {  	v6 =	vmul.f32 v11, v4;
	v14 =	vld [tilespmem:s17+$0x89C0]  }
.Ltmp0:
0x5d: {  	[tilespmem:s17+$0x10980] =	vst v8;
	v8 =	vadd.f32 v10, v7;
	v10 =	vmul.f32 v9, v5;
	v9 =	vld [tilespmem:s17+$0x9D0];
	(pc) =	sbr.rel @p0 .LBB2_2-.Ltmp0, $4  }
0x5e: {  	v15 =	vmul.f32 v15, v4;
	v7 =	vld [tilespmem:s17+$0x89D0]  }
0x5f: {  	[tilespmem:s17+$0x10990] =	vst v8;
	v16 =	vadd.f32 v10, v6;
	v13 =	vmul.f32 v13, v5;
	v8 =	vld [tilespmem:s17+$0x9E0]  }
0x60: {  	s18 =	sshra.s32 s19, $0x2;
	v11 =	vmul.f32 v12, v4;
	v10 =	vld [tilespmem:s17+$0x89E0]  }
0x61: {  	s19 =	sadd.s32 $0x200, s19;
	v6 =	vld [tilespmem:s18+$0x9F0];
	[tilespmem:s17+$0x109A0] =	vst v16;
	v12 =	vadd.f32 v13, v15;
	v13 =	vmul.f32 v14, v5  }
0x62: {  	v14 =	vld [tilespmem:s18+$0x89F0]  }
0x63: {  	v15 =	vld [tilespmem:s18+$0x980];
	v9 =	vmul.f32 v9, v4;
	[tilespmem:s17+$0x109B0] =	vst v12;
	v11 =	vadd.f32 v13, v11;
	v7 =	vmul.f32 v7, v5  }
0x64: {  	v12 =	vld [tilespmem:s18+$0x8980]  }
0x65: {  	v13 =	vld [tilespmem:s18+$0x990];
	v8 =	vmul.f32 v8, v4;
	[tilespmem:s17+$0x109C0] =	vst v11;
	v7 =	vadd.f32 v7, v9;
	v10 =	vmul.f32 v10, v5  }
0x66: {  	v9 =	vld [tilespmem:s18+$0x8990]  }
0x67: {  	v11 =	vld [tilespmem:s18+$0x9A0];
	[tilespmem:s17+$0x109D0] =	vst v7;
	v7 =	vadd.f32 v10, v8  }
0x68: {  	v6 =	vmul.f32 v6, v4;
	v10 =	vmul.f32 v14, v5;
	v8 =	vld [tilespmem:s18+$0x89A0]  }
0x69: {  	v14 =	vld [tilespmem:s18+$0x9B0];
	[tilespmem:s17+$0x109E0] =	vst v7  }
0x6a: {  	v7 =	vmul.f32 v15, v4;
	v12 =	vmul.f32 v12, v5;
	v6 =	vadd.f32 v10, v6;
	v10 =	vld [tilespmem:s18+$0x89B0]  }
0x6b: {  	v15 =	vld [tilespmem:s18+$0x9C0]  }
0x6c: {  	v7 =	vadd.f32 v12, v7;
	[tilespmem:s18+$0x109F0] =	vst v6;
	v6 =	vmul.f32 v13, v4;
	v9 =	vmul.f32 v9, v5;
	v12 =	vld [tilespmem:s18+$0x89C0]  }
0x6d: {  	v13 =	vld [tilespmem:s18+$0x89E0]  }
0x6e: {  	[tilespmem:s18+$0x10980] =	vst v7;
	v6 =	vadd.f32 v9, v6;
	v7 =	vld [tilespmem:s18+$0x9D0]  }
0x6f: {  	v9 =	vld [tilespmem:s18+$0x89D0]  }
0x70: {  	[tilespmem:s18+$0x10990] =	vst v6;
	v6 =	vld [tilespmem:s18+$0x9E0]  }
0x71: {  	v11 =	vmul.f32 v11, v4;
	v8 =	vmul.f32 v8, v5  }
0x72: {  	v14 =	vmul.f32 v14, v4;
	v10 =	vmul.f32 v10, v5  }
0x73: {  	v8 =	vadd.f32 v8, v11;
	v11 =	vmul.f32 v15, v4;
	v12 =	vmul.f32 v12, v5  }
0x74: {  	v10 =	vadd.f32 v10, v14;
	v7 =	vmul.f32 v7, v4;
	v9 =	vmul.f32 v9, v5  }
0x75: {  	[tilespmem:s18+$0x109A0] =	vst v8;
	v8 =	vadd.f32 v12, v11;
	v5 =	vmul.f32 v13, v5;
	v4 =	vmul.f32 v6, v4  }
0x76: {  	[tilespmem:s18+$0x109B0] =	vst v10;
	v6 =	vadd.f32 v9, v7  }
0x77: {  	[tilespmem:s18+$0x109C0] =	vst v8;
	v4 =	vadd.f32 v5, v4  }
0x78: {  	[tilespmem:s18+$0x109D0] =	vst v6  }
0x79: {  	[tilespmem:s18+$0x109E0] =	vst v4  }
0x7a: {  	[hbm4b:s14+s24] =	stream.strided.scatter [tilespmem:s9], [sflag:$0x5], $0x4000, s26, s24, $0x38;
	[tilespmem:$0x18980] =	vst v63  }
0x7b: {  	s21 =	rddreg [dreg:$0xa]  }
0x7c: {  	[tilespmem:s28], [sflag:$0x1] =	stream.strided.gather [hbm4b:s21+s24], $0x4000, s26, s24, $0x38;
	[tilespmem:$0x18980] =	vst v63  }
0x7d: {  	s22 =	rddreg [dreg:$0xb]  }
0x7e: {  	[tilespmem:s29], [sflag:$0x3] =	stream.strided.gather [hbm4b:s22+s24], $0x4000, s26, s24, $0x38;
	[tilespmem:$0x18980] =	vst v63  }
0x7f: {  	_ =	swait.ge [sflag:s10], $0x4000  }
0x80: {  	[sflag:s10] =	ssyncset.done $0x0  }
0x81: {  	[sflag:s10] =	ssyncadd.s32 $0xFFFFC000  }
0x82: {  	_ =	swait.ge [sflag:s11], $0x4000  }
0x83: {  	[sflag:s11] =	ssyncset.done $0x0  }
0x84: {  	[sflag:s11] =	ssyncadd.s32 $0xFFFFC000  }
0x85: {  	v4 =	vld.idx.msk [tilespmem:v1+s1+$0x0], $0xffff  }
0x86: {  	s17 =	simm.s32 $0x0;
	v5 =	vld.idx.msk [tilespmem:v1+s5+$0x0], $0xffff  }
0x87: {  	v6 =	vld [tilespmem:s17+$0x49F0]  }
0x88: {  	v7 =	vld [tilespmem:s17+$0xC9F0]  }
0x89: {  	v8 =	vld [tilespmem:s17+$0x4980]  }
0x8a: {  	v9 =	vld [tilespmem:s17+$0xC980]  }
0x8b: {  	v10 =	vld [tilespmem:s17+$0x4990]  }
0x8c: {  	v11 =	vld [tilespmem:s17+$0xC990]  }
0x8d: {  	v12 =	vld [tilespmem:s17+$0x49A0]  }
0x8e: {  	v13 =	vld [tilespmem:s17+$0xC9A0];
	v6 =	vmul.f32 v6, v4;
	v7 =	vmul.f32 v7, v5  }
0x8f: {  	v14 =	vld [tilespmem:s17+$0x49B0]  }
0x90: {  	v15 =	vld [tilespmem:s17+$0xC9B0];
	v8 =	vmul.f32 v8, v4;
	v9 =	vmul.f32 v9, v5;
	v6 =	vadd.f32 v7, v6  }
0x91: {  	v16 =	vld [tilespmem:s17+$0x49C0]  }
0x92: {  	v17 =	vld [tilespmem:s17+$0xC9C0];
	v7 =	vadd.f32 v9, v8;
	v8 =	vmul.f32 v11, v5;
	[tilespmem:s17+$0x149F0] =	vst v6;
	v6 =	vmul.f32 v10, v4  }
0x93: {  	v9 =	vld [tilespmem:s17+$0x49D0];
	v11 =	vmul.f32 v13, v5;
	v10 =	vmul.f32 v12, v4  }
0x94: {  	[tilespmem:s17+$0x14980] =	vst v7;
	v7 =	vld [tilespmem:s17+$0xC9D0];
	v6 =	vadd.f32 v8, v6  }
0x95: {  	v12 =	vmul.f32 v14, v4;
	v14 =	vmul.f32 v15, v5;
	v8 =	vld [tilespmem:s17+$0x49E0];
	v13 =	vadd.f32 v11, v10  }
0x96: {  	s18 =	simm.s32 $0x80;
	v10 =	vld [tilespmem:s17+$0xC9E0];
	[tilespmem:s17+$0x14990] =	vst v6  }
0x97: {  	s19 =	simm.s32 $0x400;
	v11 =	vmul.f32 v16, v4;
	v12 =	vadd.f32 v14, v12;
	v6 =	vld [tilespmem:s18+$0x49F0];
	[tilespmem:s17+$0x149A0] =	vst v13;
	v13 =	vmul.f32 v17, v5  }
.LBB2_4:
0x98: {  	p0 =	sne.s32 s19, $0xFE00;
	v14 =	vld [tilespmem:s18+$0xC9F0];
	v9 =	vmul.f32 v9, v4  }
0x99: {  	v15 =	vld [tilespmem:s18+$0x4980];
	[tilespmem:s17+$0x149B0] =	vst v12;
	v11 =	vadd.f32 v13, v11;
	v7 =	vmul.f32 v7, v5  }
0x9a: {  	v12 =	vld [tilespmem:s18+$0xC980];
	v8 =	vmul.f32 v8, v4  }
0x9b: {  	v13 =	vld [tilespmem:s18+$0x4990];
	[tilespmem:s17+$0x149C0] =	vst v11;
	v7 =	vadd.f32 v7, v9;
	v9 =	vmul.f32 v10, v5  }
0x9c: {  	v10 =	vld [tilespmem:s18+$0xC990]  }
0x9d: {  	v6 =	vmul.f32 v6, v4;
	v11 =	vld [tilespmem:s18+$0x49A0];
	v14 =	vmul.f32 v14, v5;
	[tilespmem:s17+$0x149D0] =	vst v7;
	v7 =	vadd.f32 v9, v8  }
0x9e: {  	v8 =	vmul.f32 v15, v4;
	v9 =	vld [tilespmem:s18+$0xC9A0]  }
0x9f: {  	v12 =	vmul.f32 v12, v5;
	v15 =	vld [tilespmem:s18+$0x49B0];
	v6 =	vadd.f32 v14, v6;
	[tilespmem:s17+$0x149E0] =	vst v7;
	s17 =	smov.u32 s18  }
0xa0: {  	v7 =	vmul.f32 v13, v4;
	v13 =	vld [tilespmem:s17+$0xC9B0]  }
0xa1: {  	v8 =	vadd.f32 v12, v8;
	v10 =	vmul.f32 v10, v5;
	v12 =	vld [tilespmem:s17+$0x49C0];
	[tilespmem:s17+$0x149F0] =	vst v6  }
0xa2: {  	v6 =	vmul.f32 v11, v4;
	v14 =	vld [tilespmem:s17+$0xC9C0]  }
.Ltmp1:
0xa3: {  	[tilespmem:s17+$0x14980] =	vst v8;
	v8 =	vadd.f32 v10, v7;
	v10 =	vmul.f32 v9, v5;
	v9 =	vld [tilespmem:s17+$0x49D0];
	(pc) =	sbr.rel @p0 .LBB2_4-.Ltmp1, $4  }
0xa4: {  	v15 =	vmul.f32 v15, v4;
	v7 =	vld [tilespmem:s17+$0xC9D0]  }
0xa5: {  	[tilespmem:s17+$0x14990] =	vst v8;
	v16 =	vadd.f32 v10, v6;
	v13 =	vmul.f32 v13, v5;
	v8 =	vld [tilespmem:s17+$0x49E0]  }
0xa6: {  	s18 =	sshra.s32 s19, $0x2;
	v11 =	vmul.f32 v12, v4;
	v10 =	vld [tilespmem:s17+$0xC9E0]  }
0xa7: {  	s19 =	sadd.s32 $0x200, s19;
	v6 =	vld [tilespmem:s18+$0x49F0];
	[tilespmem:s17+$0x149A0] =	vst v16;
	v12 =	vadd.f32 v13, v15;
	v13 =	vmul.f32 v14, v5  }
0xa8: {  	v14 =	vld [tilespmem:s18+$0xC9F0]  }
0xa9: {  	v15 =	vld [tilespmem:s18+$0x4980];
	v9 =	vmul.f32 v9, v4;
	[tilespmem:s17+$0x149B0] =	vst v12;
	v11 =	vadd.f32 v13, v11;
	v7 =	vmul.f32 v7, v5  }
0xaa: {  	v12 =	vld [tilespmem:s18+$0xC980]  }
0xab: {  	v46 =	vld [tilespmem:s18+$0x4990];
	v8 =	vmul.f32 v8, v4;
	[tilespmem:s17+$0x149C0] =	vst v11;
	v7 =	vadd.f32 v7, v9;
	v10 =	vmul.f32 v10, v5  }
0xac: {  	v47 =	vld [tilespmem:s18+$0xC990]  }
0xad: {  	v11 =	vld [tilespmem:s18+$0x49A0];
	[tilespmem:s17+$0x149D0] =	vst v7;
	v48 =	vadd.f32 v10, v8  }
0xae: {  	v49 =	vld [tilespmem:s18+$0xC9A0]  }
0xaf: {  	v51 =	vld [tilespmem:s18+$0x49B0];
	[tilespmem:s17+$0x149E0] =	vst v48  }
0xb0: {  	v53 =	vld [tilespmem:s18+$0xC9B0]  }
0xb1: {  	v54 =	vld [tilespmem:s18+$0x49C0]  }
0xb2: {  	v56 =	vld [tilespmem:s18+$0xC9C0]  }
0xb3: {  	v57 =	vld [tilespmem:s18+$0x49D0]  }
0xb4: {  	v6 =	vmul.f32 v6, v4;
	v50 =	vmul.f32 v14, v5;
	v58 =	vld [tilespmem:s18+$0xC9D0]  }
0xb5: {  	v52 =	vmul.f32 v15, v4;
	v12 =	vmul.f32 v12, v5;
	v59 =	vld [tilespmem:s18+$0x49E0]  }
0xb6: {  	v6 =	vadd.f32 v50, v6;
	v55 =	vmul.f32 v46, v4;
	v60 =	vld [tilespmem:s18+$0xC9E0];
	v9 =	vmul.f32 v47, v5  }
0xb7: {  	v7 =	vadd.f32 v12, v52;
	v11 =	vmul.f32 v11, v4;
	v8 =	vmul.f32 v49, v5  }
0xb8: {  	[tilespmem:s18+$0x149F0] =	vst v6;
	v6 =	vadd.f32 v9, v55;
	v14 =	vmul.f32 v51, v4;
	v10 =	vmul.f32 v53, v5  }
0xb9: {  	[tilespmem:s18+$0x14980] =	vst v7;
	v8 =	vadd.f32 v8, v11;
	v61 =	vmul.f32 v54, v4;
	v12 =	vmul.f32 v56, v5  }
0xba: {  	[tilespmem:s18+$0x14990] =	vst v6;
	v7 =	vmul.f32 v57, v4;
	v9 =	vmul.f32 v58, v5;
	v10 =	vadd.f32 v10, v14  }
0xbb: {  	v4 =	vmul.f32 v59, v4;
	v5 =	vmul.f32 v60, v5;
	[tilespmem:s18+$0x149A0] =	vst v8;
	v62 =	vadd.f32 v12, v61  }
0xbc: {  	v63 =	vadd.f32 v9, v7;
	[tilespmem:s18+$0x149B0] =	vst v10  }
0xbd: {  	v4 =	vadd.f32 v5, v4;
	[tilespmem:s18+$0x149C0] =	vst v62  }
0xbe: {  	[tilespmem:s18+$0x149D0] =	vst v63  }
0xbf: {  	s20 =	rddreg [dreg:$0xc];
	[tilespmem:s18+$0x149E0] =	vst v4  }
0xc0: {  	[hbm4b:s20+s24] =	stream.strided.scatter [tilespmem:s12], [sflag:$0x6], $0x4000, s26, s24, $0x38;
	[tilespmem:$0x18980] =	vst v63  }
0xc1: {  	s21 =	rddreg [dreg:$0xd]  }
0xc2: {  	[tilespmem:s30], [sflag:$0x2] =	stream.strided.gather [hbm4b:s21+s24], $0x4000, s26, s24, $0x38;
	[tilespmem:$0x18980] =	vst v63  }
0xc3: {  	s22 =	rddreg [dreg:$0xe];
	s17 =	simm.s32 $0x0  }
0xc4: {  	[tilespmem:s31], [sflag:$0x4] =	stream.strided.gather [hbm4b:s22+s24], $0x4000, s26, s24, $0x38;
	[tilespmem:$0x18980] =	vst v63  }
.LBB2_6:
0xc5: {  	_ =	swait.ge [sflag:s0], $0x4000  }
0xc6: {  	[sflag:s0] =	ssyncset.done $0x0  }
0xc7: {  	s18 =	sshll.u32 s17, $0x1;
	[sflag:s0] =	ssyncadd.s32 $0xFFFFC000  }
0xc8: {  	s19 =	sadd.s32 $0x2, s18;
	_ =	swait.ge [sflag:s4], $0x4000  }
0xc9: {  	v4 =	vmov s19;
	[sflag:s4] =	ssyncset.done $0x0  }
0xca: {  	v4 =	vadd.s32 $0x10, v4;
	[sflag:s4] =	ssyncadd.s32 $0xFFFFC000  }
0xcb: {  	v5 =	vbroadcast v4, $0x0;
	_ =	swait.ge [sflag:s13], $0x4000  }
0xcc: {  	[sflag:s13] =	ssyncset.done $0x0  }
0xcd: {  	s20 =	simm.s32 $0x0;
	[sflag:s13] =	ssyncadd.s32 $0xFFFFC000  }
0xce: {  	v6 =	vld [tilespmem:s20+$0x9F0]  }
0xcf: {  	v7 =	vld [tilespmem:s20+$0x89F0]  }
0xd0: {  	v8 =	vld [tilespmem:s20+$0x980]  }
0xd1: {  	v4 =	vld.idx.msk [tilespmem:v5+s1+$0x0], $0xffff  }
0xd2: {  	v5 =	vld.idx.msk [tilespmem:v5+s5+$0x0], $0xffff  }
0xd3: {  	v9 =	vld [tilespmem:s20+$0x8980]  }
0xd4: {  	v10 =	vld [tilespmem:s20+$0x990]  }
0xd5: {  	v11 =	vld [tilespmem:s20+$0x8990]  }
0xd6: {  	v12 =	vld [tilespmem:s20+$0x9A0]  }
0xd7: {  	v13 =	vld [tilespmem:s20+$0x89A0];
	v6 =	vmul.f32 v6, v4;
	v7 =	vmul.f32 v7, v5  }
0xd8: {  	v14 =	vld [tilespmem:s20+$0x9B0]  }
0xd9: {  	v15 =	vld [tilespmem:s20+$0x89B0];
	v8 =	vmul.f32 v8, v4;
	v9 =	vmul.f32 v9, v5;
	v6 =	vadd.f32 v7, v6  }
0xda: {  	v16 =	vld [tilespmem:s20+$0x9C0]  }
0xdb: {  	v17 =	vld [tilespmem:s20+$0x89C0];
	v7 =	vadd.f32 v9, v8;
	v8 =	vmul.f32 v11, v5;
	[tilespmem:s20+$0x109F0] =	vst v6;
	v6 =	vmul.f32 v10, v4  }
0xdc: {  	v9 =	vld [tilespmem:s20+$0x9D0];
	v11 =	vmul.f32 v13, v5;
	v10 =	vmul.f32 v12, v4  }
0xdd: {  	[tilespmem:s20+$0x10980] =	vst v7;
	v7 =	vld [tilespmem:s20+$0x89D0];
	v6 =	vadd.f32 v8, v6  }
0xde: {  	v12 =	vmul.f32 v14, v4;
	v14 =	vmul.f32 v15, v5;
	v8 =	vld [tilespmem:s20+$0x9E0];
	v13 =	vadd.f32 v11, v10  }
0xdf: {  	s21 =	simm.s32 $0x80;
	v10 =	vld [tilespmem:s20+$0x89E0];
	[tilespmem:s20+$0x10990] =	vst v6  }
0xe0: {  	s22 =	simm.s32 $0x400;
	v11 =	vmul.f32 v16, v4;
	v12 =	vadd.f32 v14, v12;
	v6 =	vld [tilespmem:s21+$0x9F0];
	[tilespmem:s20+$0x109A0] =	vst v13;
	v13 =	vmul.f32 v17, v5  }
.LBB2_7:
0xe1: {  	p0 =	sne.s32 s22, $0xFE00;
	v14 =	vld [tilespmem:s21+$0x89F0];
	v9 =	vmul.f32 v9, v4  }
0xe2: {  	v15 =	vld [tilespmem:s21+$0x980];
	[tilespmem:s20+$0x109B0] =	vst v12;
	v11 =	vadd.f32 v13, v11;
	v7 =	vmul.f32 v7, v5  }
0xe3: {  	v12 =	vld [tilespmem:s21+$0x8980];
	v8 =	vmul.f32 v8, v4  }
0xe4: {  	v13 =	vld [tilespmem:s21+$0x990];
	[tilespmem:s20+$0x109C0] =	vst v11;
	v7 =	vadd.f32 v7, v9;
	v9 =	vmul.f32 v10, v5  }
0xe5: {  	v10 =	vld [tilespmem:s21+$0x8990]  }
0xe6: {  	v6 =	vmul.f32 v6, v4;
	v11 =	vld [tilespmem:s21+$0x9A0];
	v14 =	vmul.f32 v14, v5;
	[tilespmem:s20+$0x109D0] =	vst v7;
	v7 =	vadd.f32 v9, v8  }
0xe7: {  	v8 =	vmul.f32 v15, v4;
	v9 =	vld [tilespmem:s21+$0x89A0]  }
0xe8: {  	v12 =	vmul.f32 v12, v5;
	v15 =	vld [tilespmem:s21+$0x9B0];
	v6 =	vadd.f32 v14, v6;
	[tilespmem:s20+$0x109E0] =	vst v7;
	s20 =	smov.u32 s21  }
0xe9: {  	v7 =	vmul.f32 v13, v4;
	v13 =	vld [tilespmem:s20+$0x89B0]  }
0xea: {  	v8 =	vadd.f32 v12, v8;
	v10 =	vmul.f32 v10, v5;
	v12 =	vld [tilespmem:s20+$0x9C0];
	[tilespmem:s20+$0x109F0] =	vst v6  }
0xeb: {  	v6 =	vmul.f32 v11, v4;
	v14 =	vld [tilespmem:s20+$0x89C0]  }
.Ltmp2:
0xec: {  	[tilespmem:s20+$0x10980] =	vst v8;
	v8 =	vadd.f32 v10, v7;
	v10 =	vmul.f32 v9, v5;
	v9 =	vld [tilespmem:s20+$0x9D0];
	(pc) =	sbr.rel @p0 .LBB2_7-.Ltmp2, $4  }
0xed: {  	v15 =	vmul.f32 v15, v4;
	v7 =	vld [tilespmem:s20+$0x89D0]  }
0xee: {  	[tilespmem:s20+$0x10990] =	vst v8;
	v16 =	vadd.f32 v10, v6;
	v13 =	vmul.f32 v13, v5;
	v8 =	vld [tilespmem:s20+$0x9E0]  }
0xef: {  	s21 =	sshra.s32 s22, $0x2;
	v11 =	vmul.f32 v12, v4;
	v10 =	vld [tilespmem:s20+$0x89E0]  }
0xf0: {  	s22 =	sadd.s32 $0x200, s22;
	v6 =	vld [tilespmem:s21+$0x9F0];
	[tilespmem:s20+$0x109A0] =	vst v16;
	v12 =	vadd.f32 v13, v15;
	v13 =	vmul.f32 v14, v5  }
0xf1: {  	v14 =	vld [tilespmem:s21+$0x89F0]  }
0xf2: {  	v15 =	vld [tilespmem:s21+$0x980];
	v9 =	vmul.f32 v9, v4;
	[tilespmem:s20+$0x109B0] =	vst v12;
	v11 =	vadd.f32 v13, v11;
	v7 =	vmul.f32 v7, v5  }
0xf3: {  	v12 =	vld [tilespmem:s21+$0x8980]  }
0xf4: {  	v13 =	vld [tilespmem:s21+$0x990];
	v8 =	vmul.f32 v8, v4;
	[tilespmem:s20+$0x109C0] =	vst v11;
	v7 =	vadd.f32 v7, v9;
	v10 =	vmul.f32 v10, v5  }
0xf5: {  	v9 =	vld [tilespmem:s21+$0x8990]  }
0xf6: {  	v11 =	vld [tilespmem:s21+$0x9A0];
	[tilespmem:s20+$0x109D0] =	vst v7;
	v7 =	vadd.f32 v10, v8  }
0xf7: {  	v6 =	vmul.f32 v6, v4;
	v10 =	vmul.f32 v14, v5;
	v8 =	vld [tilespmem:s21+$0x89A0]  }
0xf8: {  	v14 =	vld [tilespmem:s21+$0x9B0];
	[tilespmem:s20+$0x109E0] =	vst v7  }
0xf9: {  	v7 =	vmul.f32 v15, v4;
	v12 =	vmul.f32 v12, v5;
	v6 =	vadd.f32 v10, v6;
	v10 =	vld [tilespmem:s21+$0x89B0]  }
0xfa: {  	v15 =	vld [tilespmem:s21+$0x9C0]  }
0xfb: {  	v7 =	vadd.f32 v12, v7;
	[tilespmem:s21+$0x109F0] =	vst v6;
	v6 =	vmul.f32 v13, v4;
	v9 =	vmul.f32 v9, v5;
	v12 =	vld [tilespmem:s21+$0x89C0]  }
0xfc: {  	v13 =	vld [tilespmem:s21+$0x89E0]  }
0xfd: {  	[tilespmem:s21+$0x10980] =	vst v7;
	v6 =	vadd.f32 v9, v6;
	v7 =	vld [tilespmem:s21+$0x9D0]  }
0xfe: {  	v9 =	vld [tilespmem:s21+$0x89D0]  }
0xff: {  	[tilespmem:s21+$0x10990] =	vst v6;
	v6 =	vld [tilespmem:s21+$0x9E0]  }
0x100: {  	v11 =	vmul.f32 v11, v4;
	v8 =	vmul.f32 v8, v5  }
0x101: {  	v14 =	vmul.f32 v14, v4;
	v10 =	vmul.f32 v10, v5  }
0x102: {  	v8 =	vadd.f32 v8, v11;
	v11 =	vmul.f32 v15, v4;
	v12 =	vmul.f32 v12, v5  }
0x103: {  	v10 =	vadd.f32 v10, v14;
	v7 =	vmul.f32 v7, v4;
	v9 =	vmul.f32 v9, v5  }
0x104: {  	[tilespmem:s21+$0x109A0] =	vst v8;
	v8 =	vadd.f32 v12, v11;
	v5 =	vmul.f32 v13, v5;
	v4 =	vmul.f32 v6, v4  }
0x105: {  	s22 =	sshll.u32 s19, $0x4;
	s20 =	sadd.s32 s8, s19;
	[tilespmem:s21+$0x109B0] =	vst v10;
	v6 =	vadd.f32 v9, v7  }
0x106: {  	s19 =	sand.u32 $0x60, s22;
	s20 =	sshll.u32 s20, $0xB;
	[tilespmem:s21+$0x109C0] =	vst v8;
	v4 =	vadd.f32 v5, v4  }
0x107: {  	s19 =	sadd.s32 s7, s19;
	s20 =	sand.u32 $0x3FC000, s20;
	[tilespmem:s21+$0x109D0] =	vst v6  }
0x108: {  	s19 =	sadd.s32 s20, s19;
	[tilespmem:s21+$0x109E0] =	vst v4;
	s21 =	sadd.s32 $0x4, s18  }
0x109: {  	[hbm4b:s19+s24] =	stream.strided.scatter [tilespmem:s9], [sflag:$0x5], $0x4000, s26, s24, $0x38;
	[tilespmem:$0x18980] =	vst v63  }
0x10a: {  	s22 =	sadd.s32 s8, s21  }
0x10b: {  	s19 =	sshll.u32 s21, $0x4;
	s20 =	sshll.u32 s22, $0xB  }
0x10c: {  	s19 =	sand.u32 $0x60, s19;
	s20 =	sand.u32 $0x3FC000, s20  }
0x10d: {  	s19 =	sor.u32 s19, s20  }
0x10e: {  	s20 =	sadd.s32 s2, s19  }
0x10f: {  	[tilespmem:s28], [sflag:$0x1] =	stream.strided.gather [hbm4b:s20+s24], $0x4000, s26, s24, $0x38;
	[tilespmem:$0x18980] =	vst v63  }
0x110: {  	s19 =	sadd.s32 s6, s19  }
0x111: {  	[tilespmem:s29], [sflag:$0x3] =	stream.strided.gather [hbm4b:s19+s24], $0x4000, s26, s24, $0x38;
	[tilespmem:$0x18980] =	vst v63  }
0x112: {  	s19 =	sadd.s32 $0x3, s18;
	_ =	swait.ge [sflag:s10], $0x4000  }
0x113: {  	v4 =	vmov s19;
	[sflag:s10] =	ssyncset.done $0x0  }
0x114: {  	v4 =	vadd.s32 $0x10, v4;
	[sflag:s10] =	ssyncadd.s32 $0xFFFFC000  }
0x115: {  	v5 =	vbroadcast v4, $0x0;
	_ =	swait.ge [sflag:s11], $0x4000  }
0x116: {  	[sflag:s11] =	ssyncset.done $0x0  }
0x117: {  	[sflag:s11] =	ssyncadd.s32 $0xFFFFC000  }
0x118: {  	_ =	swait.ge [sflag:s15], $0x4000  }
0x119: {  	[sflag:s15] =	ssyncset.done $0x0  }
0x11a: {  	[sflag:s15] =	ssyncadd.s32 $0xFFFFC000  }
0x11b: {  	v4 =	vld.idx.msk [tilespmem:v5+s1+$0x0], $0xffff  }
0x11c: {  	s20 =	simm.s32 $0x0;
	v5 =	vld.idx.msk [tilespmem:v5+s5+$0x0], $0xffff  }
0x11d: {  	v6 =	vld [tilespmem:s20+$0x49F0]  }
0x11e: {  	v7 =	vld [tilespmem:s20+$0xC9F0]  }
0x11f: {  	v8 =	vld [tilespmem:s20+$0x4980]  }
0x120: {  	v9 =	vld [tilespmem:s20+$0xC980]  }
0x121: {  	v10 =	vld [tilespmem:s20+$0x4990]  }
0x122: {  	v11 =	vld [tilespmem:s20+$0xC990]  }
0x123: {  	v12 =	vld [tilespmem:s20+$0x49A0]  }
0x124: {  	v13 =	vld [tilespmem:s20+$0xC9A0];
	v6 =	vmul.f32 v6, v4;
	v7 =	vmul.f32 v7, v5  }
0x125: {  	v14 =	vld [tilespmem:s20+$0x49B0]  }
0x126: {  	v15 =	vld [tilespmem:s20+$0xC9B0];
	v8 =	vmul.f32 v8, v4;
	v9 =	vmul.f32 v9, v5;
	v6 =	vadd.f32 v7, v6  }
0x127: {  	v16 =	vld [tilespmem:s20+$0x49C0]  }
0x128: {  	v17 =	vld [tilespmem:s20+$0xC9C0];
	v7 =	vadd.f32 v9, v8;
	v8 =	vmul.f32 v11, v5;
	[tilespmem:s20+$0x149F0] =	vst v6;
	v6 =	vmul.f32 v10, v4  }
0x129: {  	v9 =	vld [tilespmem:s20+$0x49D0];
	v11 =	vmul.f32 v13, v5;
	v10 =	vmul.f32 v12, v4  }
0x12a: {  	[tilespmem:s20+$0x14980] =	vst v7;
	v7 =	vld [tilespmem:s20+$0xC9D0];
	v6 =	vadd.f32 v8, v6  }
0x12b: {  	v12 =	vmul.f32 v14, v4;
	v14 =	vmul.f32 v15, v5;
	v8 =	vld [tilespmem:s20+$0x49E0];
	v13 =	vadd.f32 v11, v10  }
0x12c: {  	s21 =	simm.s32 $0x80;
	v10 =	vld [tilespmem:s20+$0xC9E0];
	[tilespmem:s20+$0x14990] =	vst v6  }
0x12d: {  	s22 =	simm.s32 $0x400;
	v11 =	vmul.f32 v16, v4;
	v12 =	vadd.f32 v14, v12;
	v6 =	vld [tilespmem:s21+$0x49F0];
	[tilespmem:s20+$0x149A0] =	vst v13;
	v13 =	vmul.f32 v17, v5  }
.LBB2_9:
0x12e: {  	p0 =	sne.s32 s22, $0xFE00;
	v14 =	vld [tilespmem:s21+$0xC9F0];
	v9 =	vmul.f32 v9, v4  }
0x12f: {  	v15 =	vld [tilespmem:s21+$0x4980];
	[tilespmem:s20+$0x149B0] =	vst v12;
	v11 =	vadd.f32 v13, v11;
	v7 =	vmul.f32 v7, v5  }
0x130: {  	v12 =	vld [tilespmem:s21+$0xC980];
	v8 =	vmul.f32 v8, v4  }
0x131: {  	v13 =	vld [tilespmem:s21+$0x4990];
	[tilespmem:s20+$0x149C0] =	vst v11;
	v7 =	vadd.f32 v7, v9;
	v9 =	vmul.f32 v10, v5  }
0x132: {  	v10 =	vld [tilespmem:s21+$0xC990]  }
0x133: {  	v6 =	vmul.f32 v6, v4;
	v11 =	vld [tilespmem:s21+$0x49A0];
	v14 =	vmul.f32 v14, v5;
	[tilespmem:s20+$0x149D0] =	vst v7;
	v7 =	vadd.f32 v9, v8  }
0x134: {  	v8 =	vmul.f32 v15, v4;
	v9 =	vld [tilespmem:s21+$0xC9A0]  }
0x135: {  	v12 =	vmul.f32 v12, v5;
	v15 =	vld [tilespmem:s21+$0x49B0];
	v6 =	vadd.f32 v14, v6;
	[tilespmem:s20+$0x149E0] =	vst v7;
	s20 =	smov.u32 s21  }
0x136: {  	v7 =	vmul.f32 v13, v4;
	v13 =	vld [tilespmem:s20+$0xC9B0]  }
0x137: {  	v8 =	vadd.f32 v12, v8;
	v10 =	vmul.f32 v10, v5;
	v12 =	vld [tilespmem:s20+$0x49C0];
	[tilespmem:s20+$0x149F0] =	vst v6  }
0x138: {  	v6 =	vmul.f32 v11, v4;
	v14 =	vld [tilespmem:s20+$0xC9C0]  }
.Ltmp3:
0x139: {  	[tilespmem:s20+$0x14980] =	vst v8;
	v8 =	vadd.f32 v10, v7;
	v10 =	vmul.f32 v9, v5;
	v9 =	vld [tilespmem:s20+$0x49D0];
	(pc) =	sbr.rel @p0 .LBB2_9-.Ltmp3, $4  }
0x13a: {  	v15 =	vmul.f32 v15, v4;
	v7 =	vld [tilespmem:s20+$0xC9D0]  }
0x13b: {  	[tilespmem:s20+$0x14990] =	vst v8;
	v16 =	vadd.f32 v10, v6;
	v13 =	vmul.f32 v13, v5;
	v8 =	vld [tilespmem:s20+$0x49E0]  }
0x13c: {  	s21 =	sshra.s32 s22, $0x2;
	v11 =	vmul.f32 v12, v4;
	v10 =	vld [tilespmem:s20+$0xC9E0]  }
0x13d: {  	s22 =	sadd.s32 $0x200, s22;
	v6 =	vld [tilespmem:s21+$0x49F0];
	[tilespmem:s20+$0x149A0] =	vst v16;
	v12 =	vadd.f32 v13, v15;
	v13 =	vmul.f32 v14, v5  }
0x13e: {  	v14 =	vld [tilespmem:s21+$0xC9F0]  }
0x13f: {  	v15 =	vld [tilespmem:s21+$0x4980];
	v9 =	vmul.f32 v9, v4;
	[tilespmem:s20+$0x149B0] =	vst v12;
	v11 =	vadd.f32 v13, v11;
	v7 =	vmul.f32 v7, v5  }
0x140: {  	v12 =	vld [tilespmem:s21+$0xC980]  }
0x141: {  	v46 =	vld [tilespmem:s21+$0x4990];
	v8 =	vmul.f32 v8, v4;
	[tilespmem:s20+$0x149C0] =	vst v11;
	v7 =	vadd.f32 v7, v9;
	v10 =	vmul.f32 v10, v5  }
0x142: {  	v47 =	vld [tilespmem:s21+$0xC990]  }
0x143: {  	v11 =	vld [tilespmem:s21+$0x49A0];
	[tilespmem:s20+$0x149D0] =	vst v7;
	v48 =	vadd.f32 v10, v8  }
0x144: {  	v49 =	vld [tilespmem:s21+$0xC9A0]  }
0x145: {  	v51 =	vld [tilespmem:s21+$0x49B0];
	[tilespmem:s20+$0x149E0] =	vst v48  }
0x146: {  	v53 =	vld [tilespmem:s21+$0xC9B0]  }
0x147: {  	v54 =	vld [tilespmem:s21+$0x49C0]  }
0x148: {  	v56 =	vld [tilespmem:s21+$0xC9C0]  }
0x149: {  	v57 =	vld [tilespmem:s21+$0x49D0]  }
0x14a: {  	v6 =	vmul.f32 v6, v4;
	v50 =	vmul.f32 v14, v5;
	v58 =	vld [tilespmem:s21+$0xC9D0]  }
0x14b: {  	v52 =	vmul.f32 v15, v4;
	v12 =	vmul.f32 v12, v5;
	v59 =	vld [tilespmem:s21+$0x49E0]  }
0x14c: {  	v6 =	vadd.f32 v50, v6;
	v55 =	vmul.f32 v46, v4;
	v60 =	vld [tilespmem:s21+$0xC9E0];
	v9 =	vmul.f32 v47, v5  }
0x14d: {  	v7 =	vadd.f32 v12, v52;
	v11 =	vmul.f32 v11, v4;
	v8 =	vmul.f32 v49, v5  }
0x14e: {  	[tilespmem:s21+$0x149F0] =	vst v6;
	v6 =	vadd.f32 v9, v55;
	v14 =	vmul.f32 v51, v4;
	v10 =	vmul.f32 v53, v5  }
0x14f: {  	[tilespmem:s21+$0x14980] =	vst v7;
	v8 =	vadd.f32 v8, v11;
	v61 =	vmul.f32 v54, v4;
	v12 =	vmul.f32 v56, v5  }
0x150: {  	[tilespmem:s21+$0x14990] =	vst v6;
	v7 =	vmul.f32 v57, v4;
	v9 =	vmul.f32 v58, v5;
	v10 =	vadd.f32 v10, v14  }
0x151: {  	v4 =	vmul.f32 v59, v4;
	v5 =	vmul.f32 v60, v5;
	[tilespmem:s21+$0x149A0] =	vst v8;
	v62 =	vadd.f32 v12, v61  }
0x152: {  	s22 =	sshll.u32 s19, $0x4;
	s20 =	sadd.s32 s8, s19;
	v63 =	vadd.f32 v9, v7;
	[tilespmem:s21+$0x149B0] =	vst v10  }
0x153: {  	s19 =	sand.u32 $0x70, s22;
	s20 =	sshll.u32 s20, $0xB;
	v4 =	vadd.f32 v5, v4;
	[tilespmem:s21+$0x149C0] =	vst v62  }
0x154: {  	s18 =	sadd.s32 $0x5, s18;
	s19 =	sadd.s32 s7, s19;
	s20 =	sand.u32 $0x3FC000, s20;
	[tilespmem:s21+$0x149D0] =	vst v63  }
0x155: {  	s22 =	sadd.s32 s8, s18;
	s19 =	sadd.s32 s20, s19;
	[tilespmem:s21+$0x149E0] =	vst v4  }
0x156: {  	[hbm4b:s19+s24] =	stream.strided.scatter [tilespmem:s12], [sflag:$0x6], $0x4000, s26, s24, $0x38;
	[tilespmem:$0x18980] =	vst v63  }
0x157: {  	s17 =	sadd.s32 $0x1, s17;
	s18 =	sshll.u32 s18, $0x4;
	s19 =	sshll.u32 s22, $0xB  }
0x158: {  	p0 =	sne.s32 s17, $0xE;
	s18 =	sand.u32 $0x70, s18;
	s19 =	sand.u32 $0x3FC000, s19  }
.Ltmp4:
0x159: {  	s18 =	sor.u32 s18, s19;
	(pc) =	sbr.rel @p0 .LBB2_6-.Ltmp4, $4  }
0x15a: {  	s19 =	sadd.s32 s2, s18  }
0x15b: {  	[tilespmem:s30], [sflag:$0x2] =	stream.strided.gather [hbm4b:s19+s24], $0x4000, s26, s24, $0x38;
	[tilespmem:$0x18980] =	vst v63  }
0x15c: {  	s18 =	sadd.s32 s6, s18  }
0x15d: {  	[tilespmem:s31], [sflag:$0x4] =	stream.strided.gather [hbm4b:s18+s24], $0x4000, s26, s24, $0x38;
	[tilespmem:$0x18980] =	vst v63  }
0x15e: {  	_ =	swait.ge [sflag:s0], $0x4000  }
0x15f: {  	[sflag:s0] =	ssyncset.done $0x0  }
0x160: {  	[sflag:s0] =	ssyncadd.s32 $0xFFFFC000  }
0x161: {  	_ =	swait.ge [sflag:s4], $0x4000  }
0x162: {  	[sflag:s4] =	ssyncset.done $0x0  }
0x163: {  	[sflag:s4] =	ssyncadd.s32 $0xFFFFC000  }
0x164: {  	_ =	swait.ge [sflag:s13], $0x4000  }
0x165: {  	[sflag:s13] =	ssyncset.done $0x0  }
0x166: {  	[sflag:s13] =	ssyncadd.s32 $0xFFFFC000  }
0x167: {  	v4 =	vld.idx.msk [tilespmem:v2+s1+$0x0], $0xffff  }
0x168: {  	s17 =	simm.s32 $0x0;
	v5 =	vld.idx.msk [tilespmem:v2+s5+$0x0], $0xffff  }
0x169: {  	v6 =	vld [tilespmem:s17+$0x9F0]  }
0x16a: {  	v7 =	vld [tilespmem:s17+$0x89F0]  }
0x16b: {  	v8 =	vld [tilespmem:s17+$0x980]  }
0x16c: {  	v9 =	vld [tilespmem:s17+$0x8980]  }
0x16d: {  	v10 =	vld [tilespmem:s17+$0x990]  }
0x16e: {  	v11 =	vld [tilespmem:s17+$0x8990]  }
0x16f: {  	v12 =	vld [tilespmem:s17+$0x9A0]  }
0x170: {  	v13 =	vld [tilespmem:s17+$0x89A0];
	v6 =	vmul.f32 v6, v4;
	v7 =	vmul.f32 v7, v5  }
0x171: {  	v14 =	vld [tilespmem:s17+$0x9B0]  }
0x172: {  	v15 =	vld [tilespmem:s17+$0x89B0];
	v8 =	vmul.f32 v8, v4;
	v9 =	vmul.f32 v9, v5;
	v6 =	vadd.f32 v7, v6  }
0x173: {  	v16 =	vld [tilespmem:s17+$0x9C0]  }
0x174: {  	v17 =	vld [tilespmem:s17+$0x89C0];
	v7 =	vadd.f32 v9, v8;
	v8 =	vmul.f32 v11, v5;
	[tilespmem:s17+$0x109F0] =	vst v6;
	v6 =	vmul.f32 v10, v4  }
0x175: {  	v9 =	vld [tilespmem:s17+$0x9D0];
	v11 =	vmul.f32 v13, v5;
	v10 =	vmul.f32 v12, v4  }
0x176: {  	[tilespmem:s17+$0x10980] =	vst v7;
	v7 =	vld [tilespmem:s17+$0x89D0];
	v6 =	vadd.f32 v8, v6  }
0x177: {  	v12 =	vmul.f32 v14, v4;
	v14 =	vmul.f32 v15, v5;
	v8 =	vld [tilespmem:s17+$0x9E0];
	v13 =	vadd.f32 v11, v10  }
0x178: {  	s18 =	simm.s32 $0x80;
	v10 =	vld [tilespmem:s17+$0x89E0];
	[tilespmem:s17+$0x10990] =	vst v6  }
0x179: {  	s19 =	simm.s32 $0x400;
	v11 =	vmul.f32 v16, v4;
	v12 =	vadd.f32 v14, v12;
	v6 =	vld [tilespmem:s18+$0x9F0];
	[tilespmem:s17+$0x109A0] =	vst v13;
	v13 =	vmul.f32 v17, v5  }
.LBB2_12:
0x17a: {  	p0 =	sne.s32 s19, $0xFE00;
	v14 =	vld [tilespmem:s18+$0x89F0];
	v9 =	vmul.f32 v9, v4  }
0x17b: {  	v15 =	vld [tilespmem:s18+$0x980];
	[tilespmem:s17+$0x109B0] =	vst v12;
	v11 =	vadd.f32 v13, v11;
	v7 =	vmul.f32 v7, v5  }
0x17c: {  	v12 =	vld [tilespmem:s18+$0x8980];
	v8 =	vmul.f32 v8, v4  }
0x17d: {  	v13 =	vld [tilespmem:s18+$0x990];
	[tilespmem:s17+$0x109C0] =	vst v11;
	v7 =	vadd.f32 v7, v9;
	v9 =	vmul.f32 v10, v5  }
0x17e: {  	v10 =	vld [tilespmem:s18+$0x8990]  }
0x17f: {  	v6 =	vmul.f32 v6, v4;
	v11 =	vld [tilespmem:s18+$0x9A0];
	v14 =	vmul.f32 v14, v5;
	[tilespmem:s17+$0x109D0] =	vst v7;
	v7 =	vadd.f32 v9, v8  }
0x180: {  	v8 =	vmul.f32 v15, v4;
	v9 =	vld [tilespmem:s18+$0x89A0]  }
0x181: {  	v12 =	vmul.f32 v12, v5;
	v15 =	vld [tilespmem:s18+$0x9B0];
	v6 =	vadd.f32 v14, v6;
	[tilespmem:s17+$0x109E0] =	vst v7;
	s17 =	smov.u32 s18  }
0x182: {  	v7 =	vmul.f32 v13, v4;
	v13 =	vld [tilespmem:s17+$0x89B0]  }
0x183: {  	v8 =	vadd.f32 v12, v8;
	v10 =	vmul.f32 v10, v5;
	v12 =	vld [tilespmem:s17+$0x9C0];
	[tilespmem:s17+$0x109F0] =	vst v6  }
0x184: {  	v6 =	vmul.f32 v11, v4;
	v14 =	vld [tilespmem:s17+$0x89C0]  }
.Ltmp5:
0x185: {  	[tilespmem:s17+$0x10980] =	vst v8;
	v8 =	vadd.f32 v10, v7;
	v10 =	vmul.f32 v9, v5;
	v9 =	vld [tilespmem:s17+$0x9D0];
	(pc) =	sbr.rel @p0 .LBB2_12-.Ltmp5, $4  }
0x186: {  	v15 =	vmul.f32 v15, v4;
	v7 =	vld [tilespmem:s17+$0x89D0]  }
0x187: {  	[tilespmem:s17+$0x10990] =	vst v8;
	v16 =	vadd.f32 v10, v6;
	v13 =	vmul.f32 v13, v5;
	v8 =	vld [tilespmem:s17+$0x9E0]  }
0x188: {  	s18 =	sshra.s32 s19, $0x2;
	v11 =	vmul.f32 v12, v4;
	v10 =	vld [tilespmem:s17+$0x89E0]  }
0x189: {  	s19 =	sadd.s32 $0x200, s19;
	v6 =	vld [tilespmem:s18+$0x9F0];
	[tilespmem:s17+$0x109A0] =	vst v16;
	v12 =	vadd.f32 v13, v15;
	v13 =	vmul.f32 v14, v5  }
0x18a: {  	v14 =	vld [tilespmem:s18+$0x89F0]  }
0x18b: {  	v15 =	vld [tilespmem:s18+$0x980];
	v9 =	vmul.f32 v9, v4;
	[tilespmem:s17+$0x109B0] =	vst v12;
	v11 =	vadd.f32 v13, v11;
	v7 =	vmul.f32 v7, v5  }
0x18c: {  	v12 =	vld [tilespmem:s18+$0x8980]  }
0x18d: {  	v13 =	vld [tilespmem:s18+$0x990];
	v8 =	vmul.f32 v8, v4;
	[tilespmem:s17+$0x109C0] =	vst v11;
	v7 =	vadd.f32 v7, v9;
	v10 =	vmul.f32 v10, v5  }
0x18e: {  	v9 =	vld [tilespmem:s18+$0x8990]  }
0x18f: {  	v11 =	vld [tilespmem:s18+$0x9A0];
	[tilespmem:s17+$0x109D0] =	vst v7;
	v7 =	vadd.f32 v10, v8  }
0x190: {  	v6 =	vmul.f32 v6, v4;
	v10 =	vmul.f32 v14, v5;
	v8 =	vld [tilespmem:s18+$0x89A0]  }
0x191: {  	v14 =	vld [tilespmem:s18+$0x9B0];
	[tilespmem:s17+$0x109E0] =	vst v7  }
0x192: {  	v7 =	vmul.f32 v15, v4;
	v12 =	vmul.f32 v12, v5;
	v6 =	vadd.f32 v10, v6;
	v10 =	vld [tilespmem:s18+$0x89B0]  }
0x193: {  	v15 =	vld [tilespmem:s18+$0x9C0]  }
0x194: {  	v7 =	vadd.f32 v12, v7;
	[tilespmem:s18+$0x109F0] =	vst v6;
	v6 =	vmul.f32 v13, v4;
	v9 =	vmul.f32 v9, v5;
	v12 =	vld [tilespmem:s18+$0x89C0]  }
0x195: {  	v13 =	vld [tilespmem:s18+$0x89E0]  }
0x196: {  	[tilespmem:s18+$0x10980] =	vst v7;
	v6 =	vadd.f32 v9, v6;
	v7 =	vld [tilespmem:s18+$0x9D0]  }
0x197: {  	v9 =	vld [tilespmem:s18+$0x89D0]  }
0x198: {  	[tilespmem:s18+$0x10990] =	vst v6;
	v6 =	vld [tilespmem:s18+$0x9E0]  }
0x199: {  	v11 =	vmul.f32 v11, v4;
	v8 =	vmul.f32 v8, v5  }
0x19a: {  	v14 =	vmul.f32 v14, v4;
	v10 =	vmul.f32 v10, v5  }
0x19b: {  	v8 =	vadd.f32 v8, v11;
	v11 =	vmul.f32 v15, v4;
	v12 =	vmul.f32 v12, v5  }
0x19c: {  	v10 =	vadd.f32 v10, v14;
	v7 =	vmul.f32 v7, v4;
	v9 =	vmul.f32 v9, v5  }
0x19d: {  	[tilespmem:s18+$0x109A0] =	vst v8;
	v8 =	vadd.f32 v12, v11;
	v5 =	vmul.f32 v13, v5;
	v4 =	vmul.f32 v6, v4  }
0x19e: {  	[tilespmem:s18+$0x109B0] =	vst v10;
	v6 =	vadd.f32 v9, v7  }
0x19f: {  	[tilespmem:s18+$0x109C0] =	vst v8;
	v4 =	vadd.f32 v5, v4  }
0x1a0: {  	[tilespmem:s18+$0x109D0] =	vst v6  }
0x1a1: {  	s22 =	rddreg [dreg:$0xf];
	[tilespmem:s18+$0x109E0] =	vst v4  }
0x1a2: {  	[hbm4b:s22+s24] =	stream.strided.scatter [tilespmem:s9], [sflag:$0x5], $0x4000, s26, s24, $0x38;
	[tilespmem:$0x18980] =	vst v63  }
0x1a3: {  	_ =	swait.ge [sflag:s10], $0x4000  }
0x1a4: {  	[sflag:s10] =	ssyncset.done $0x0  }
0x1a5: {  	[sflag:s10] =	ssyncadd.s32 $0xFFFFC000  }
0x1a6: {  	_ =	swait.ge [sflag:s11], $0x4000  }
0x1a7: {  	[sflag:s11] =	ssyncset.done $0x0  }
0x1a8: {  	[sflag:s11] =	ssyncadd.s32 $0xFFFFC000  }
0x1a9: {  	_ =	swait.ge [sflag:s15], $0x4000  }
0x1aa: {  	[sflag:s15] =	ssyncset.done $0x0  }
0x1ab: {  	[sflag:s15] =	ssyncadd.s32 $0xFFFFC000  }
0x1ac: {  	v4 =	vld.idx.msk [tilespmem:v3+s1+$0x0], $0xffff  }
0x1ad: {  	s17 =	simm.s32 $0x0;
	v5 =	vld.idx.msk [tilespmem:v3+s5+$0x0], $0xffff  }
0x1ae: {  	v6 =	vld [tilespmem:s17+$0x49F0]  }
0x1af: {  	v7 =	vld [tilespmem:s17+$0xC9F0]  }
0x1b0: {  	v8 =	vld [tilespmem:s17+$0x4980]  }
0x1b1: {  	v9 =	vld [tilespmem:s17+$0xC980]  }
0x1b2: {  	v10 =	vld [tilespmem:s17+$0x4990]  }
0x1b3: {  	v11 =	vld [tilespmem:s17+$0xC990]  }
0x1b4: {  	v12 =	vld [tilespmem:s17+$0x49A0]  }
0x1b5: {  	v13 =	vld [tilespmem:s17+$0xC9A0];
	v6 =	vmul.f32 v6, v4;
	v7 =	vmul.f32 v7, v5  }
0x1b6: {  	v14 =	vld [tilespmem:s17+$0x49B0]  }
0x1b7: {  	v15 =	vld [tilespmem:s17+$0xC9B0];
	v8 =	vmul.f32 v8, v4;
	v9 =	vmul.f32 v9, v5;
	v6 =	vadd.f32 v7, v6  }
0x1b8: {  	v16 =	vld [tilespmem:s17+$0x49C0]  }
0x1b9: {  	v17 =	vld [tilespmem:s17+$0xC9C0];
	v7 =	vadd.f32 v9, v8;
	v8 =	vmul.f32 v11, v5;
	[tilespmem:s17+$0x149F0] =	vst v6;
	v6 =	vmul.f32 v10, v4  }
0x1ba: {  	v9 =	vld [tilespmem:s17+$0x49D0];
	v11 =	vmul.f32 v13, v5;
	v10 =	vmul.f32 v12, v4  }
0x1bb: {  	[tilespmem:s17+$0x14980] =	vst v7;
	v7 =	vld [tilespmem:s17+$0xC9D0];
	v6 =	vadd.f32 v8, v6  }
0x1bc: {  	v12 =	vmul.f32 v14, v4;
	v14 =	vmul.f32 v15, v5;
	v8 =	vld [tilespmem:s17+$0x49E0];
	v13 =	vadd.f32 v11, v10  }
0x1bd: {  	s18 =	simm.s32 $0x80;
	v10 =	vld [tilespmem:s17+$0xC9E0];
	[tilespmem:s17+$0x14990] =	vst v6  }
0x1be: {  	s19 =	simm.s32 $0x400;
	v11 =	vmul.f32 v16, v4;
	v12 =	vadd.f32 v14, v12;
	v6 =	vld [tilespmem:s18+$0x49F0];
	[tilespmem:s17+$0x149A0] =	vst v13;
	v13 =	vmul.f32 v17, v5  }
.LBB2_14:
0x1bf: {  	p0 =	sne.s32 s19, $0xFE00;
	v14 =	vld [tilespmem:s18+$0xC9F0];
	v9 =	vmul.f32 v9, v4  }
0x1c0: {  	v15 =	vld [tilespmem:s18+$0x4980];
	[tilespmem:s17+$0x149B0] =	vst v12;
	v11 =	vadd.f32 v13, v11;
	v7 =	vmul.f32 v7, v5  }
0x1c1: {  	v12 =	vld [tilespmem:s18+$0xC980];
	v8 =	vmul.f32 v8, v4  }
0x1c2: {  	v13 =	vld [tilespmem:s18+$0x4990];
	[tilespmem:s17+$0x149C0] =	vst v11;
	v7 =	vadd.f32 v7, v9;
	v9 =	vmul.f32 v10, v5  }
0x1c3: {  	v10 =	vld [tilespmem:s18+$0xC990]  }
0x1c4: {  	v6 =	vmul.f32 v6, v4;
	v11 =	vld [tilespmem:s18+$0x49A0];
	v14 =	vmul.f32 v14, v5;
	[tilespmem:s17+$0x149D0] =	vst v7;
	v7 =	vadd.f32 v9, v8  }
0x1c5: {  	v8 =	vmul.f32 v15, v4;
	v9 =	vld [tilespmem:s18+$0xC9A0]  }
0x1c6: {  	v12 =	vmul.f32 v12, v5;
	v15 =	vld [tilespmem:s18+$0x49B0];
	v6 =	vadd.f32 v14, v6;
	[tilespmem:s17+$0x149E0] =	vst v7;
	s17 =	smov.u32 s18  }
0x1c7: {  	v7 =	vmul.f32 v13, v4;
	v13 =	vld [tilespmem:s17+$0xC9B0]  }
0x1c8: {  	v8 =	vadd.f32 v12, v8;
	v10 =	vmul.f32 v10, v5;
	v12 =	vld [tilespmem:s17+$0x49C0];
	[tilespmem:s17+$0x149F0] =	vst v6  }
0x1c9: {  	v6 =	vmul.f32 v11, v4;
	v14 =	vld [tilespmem:s17+$0xC9C0]  }
.Ltmp6:
0x1ca: {  	[tilespmem:s17+$0x14980] =	vst v8;
	v8 =	vadd.f32 v10, v7;
	v10 =	vmul.f32 v9, v5;
	v9 =	vld [tilespmem:s17+$0x49D0];
	(pc) =	sbr.rel @p0 .LBB2_14-.Ltmp6, $4  }
0x1cb: {  	v15 =	vmul.f32 v15, v4;
	v7 =	vld [tilespmem:s17+$0xC9D0]  }
0x1cc: {  	[tilespmem:s17+$0x14990] =	vst v8;
	v16 =	vadd.f32 v10, v6;
	v13 =	vmul.f32 v13, v5;
	v8 =	vld [tilespmem:s17+$0x49E0]  }
0x1cd: {  	s18 =	sshra.s32 s19, $0x2;
	v11 =	vmul.f32 v12, v4;
	v10 =	vld [tilespmem:s17+$0xC9E0]  }
0x1ce: {  	s19 =	sadd.s32 $0x200, s19;
	v6 =	vld [tilespmem:s18+$0x49F0];
	[tilespmem:s17+$0x149A0] =	vst v16;
	v12 =	vadd.f32 v13, v15;
	v13 =	vmul.f32 v14, v5  }
0x1cf: {  	v14 =	vld [tilespmem:s18+$0xC9F0]  }
0x1d0: {  	v15 =	vld [tilespmem:s18+$0x4980];
	v9 =	vmul.f32 v9, v4;
	[tilespmem:s17+$0x149B0] =	vst v12;
	v11 =	vadd.f32 v13, v11;
	v7 =	vmul.f32 v7, v5  }
0x1d1: {  	v12 =	vld [tilespmem:s18+$0xC980]  }
0x1d2: {  	v46 =	vld [tilespmem:s18+$0x4990];
	v8 =	vmul.f32 v8, v4;
	[tilespmem:s17+$0x149C0] =	vst v11;
	v7 =	vadd.f32 v7, v9;
	v10 =	vmul.f32 v10, v5  }
0x1d3: {  	v47 =	vld [tilespmem:s18+$0xC990]  }
0x1d4: {  	v11 =	vld [tilespmem:s18+$0x49A0];
	[tilespmem:s17+$0x149D0] =	vst v7;
	v48 =	vadd.f32 v10, v8  }
0x1d5: {  	v49 =	vld [tilespmem:s18+$0xC9A0]  }
0x1d6: {  	v51 =	vld [tilespmem:s18+$0x49B0];
	[tilespmem:s17+$0x149E0] =	vst v48  }
0x1d7: {  	v53 =	vld [tilespmem:s18+$0xC9B0]  }
0x1d8: {  	v54 =	vld [tilespmem:s18+$0x49C0]  }
0x1d9: {  	v56 =	vld [tilespmem:s18+$0xC9C0]  }
0x1da: {  	v57 =	vld [tilespmem:s18+$0x49D0]  }
0x1db: {  	v6 =	vmul.f32 v6, v4;
	v50 =	vmul.f32 v14, v5;
	v58 =	vld [tilespmem:s18+$0xC9D0]  }
0x1dc: {  	v52 =	vmul.f32 v15, v4;
	v12 =	vmul.f32 v12, v5;
	v59 =	vld [tilespmem:s18+$0x49E0]  }
0x1dd: {  	v6 =	vadd.f32 v50, v6;
	v55 =	vmul.f32 v46, v4;
	v60 =	vld [tilespmem:s18+$0xC9E0];
	v9 =	vmul.f32 v47, v5  }
0x1de: {  	v7 =	vadd.f32 v12, v52;
	v11 =	vmul.f32 v11, v4;
	v8 =	vmul.f32 v49, v5  }
0x1df: {  	[tilespmem:s18+$0x149F0] =	vst v6;
	v6 =	vadd.f32 v9, v55;
	v14 =	vmul.f32 v51, v4;
	v10 =	vmul.f32 v53, v5  }
0x1e0: {  	[tilespmem:s18+$0x14980] =	vst v7;
	v8 =	vadd.f32 v8, v11;
	v61 =	vmul.f32 v54, v4;
	v12 =	vmul.f32 v56, v5  }
0x1e1: {  	[tilespmem:s18+$0x14990] =	vst v6;
	v7 =	vmul.f32 v57, v4;
	v9 =	vmul.f32 v58, v5;
	v10 =	vadd.f32 v10, v14  }
0x1e2: {  	v4 =	vmul.f32 v59, v4;
	v5 =	vmul.f32 v60, v5;
	[tilespmem:s18+$0x149A0] =	vst v8;
	v62 =	vadd.f32 v12, v61  }
0x1e3: {  	v63 =	vadd.f32 v9, v7;
	[tilespmem:s18+$0x149B0] =	vst v10  }
0x1e4: {  	v4 =	vadd.f32 v5, v4;
	[tilespmem:s18+$0x149C0] =	vst v62  }
0x1e5: {  	[tilespmem:s18+$0x149D0] =	vst v63  }
0x1e6: {  	s21 =	rddreg [dreg:$0x10];
	[tilespmem:s18+$0x149E0] =	vst v4  }
0x1e7: {  	[hbm4b:s21+s24] =	stream.strided.scatter [tilespmem:s12], [sflag:$0x6], $0x4000, s26, s24, $0x38;
	[tilespmem:$0x18980] =	vst v63  }
0x1e8: {  	_ =	swait.ge [sflag:s13], $0x4000  }
0x1e9: {  	[sflag:s13] =	ssyncset.done $0x0  }
0x1ea: {  	[sflag:s13] =	ssyncadd.s32 $0xFFFFC000  }
0x1eb: {  	_ =	swait.ge [sflag:s15], $0x4000  }
0x1ec: {  	s16 =	sadd.s32 $0x1, s16;
	s22 =	rddreg [dreg:$0x11]  }
0x1ed: {  	p0 =	sne.s32 s16, s22  }
.Ltmp7:
0x1ee: {  	_ = 	snop;
	(pc) =	sbr.rel @p0 .LBB2_1-.Ltmp7, $3  }
0x1ef: {  	_ =	sdelay $0x1  }
0x1f0: {  	[sflag:s15] =	ssyncset.done $0x0  }
0x1f1: {  	[sflag:s15] =	ssyncadd.s32 $0xFFFFC000  }
0x1f2: {  	_ =	sfence.sel $0x180000  }
0x1f3: {  	[bflag:$0x0] =	sbarrier.arrive $0xFFFF  }
0x1f4: {  	_ =	strace $0x90000047  }
0x1f5: {  	s0 =	stileid.u32;
	[bflag:$0x2] =	sbarrier.arrive $0xFFFF  }
0x1f6: {  	p0 =	sne.s32 s0, $0x0;
	s0 =	rddreg [dreg:$0x3]  }
0x1f7: {  	s0 =	sadd.s32 @!p0 $0x100000, s0  }
0x1f8: {  	[sflag:s0] =	ssyncadd.tile.s32 @!p0 $0x1;
	_ =	shalt  }
.Lfunc_end2:
_tile_overlayer_lowered:
.L_overlay_start_2:
0x1f9: {  	(tag) =	ssettag $0x2  }
0x1fa: {  	s0 =	rddreg [dreg:$0x0];
	s2 =	stileid.u32  }
0x1fb: {  	s1 =	rddreg [dreg:$0x1];
	p0 =	sne.s32 s2, $0x0  }
0x1fc: {  	s3 =	rddreg [dreg:$0x2];
	[bflag:$0x3] =	sbarrier.arrive $0xFFFF;
	s2 =	simm.s32 @!p0 $0x1C07  }
0x1fd: {  	[timem:s3], [sflag:s2] =	dma.local @!p0 [hbm:s0], s1  }
0x1fe: {  	s0 =	simm.s32 @!p0 $0x7  }
0x1ff: {  	_ =	swait.ge @!p0 [sflag:s0], s1  }
0x200: {  	s1 =	ssub.s32 @!p0 $0x0, s1;
	[sflag:s0] =	ssyncset.done @!p0 $0x0  }
0x201: {  	[sflag:s0] =	ssyncadd.s32 @!p0 s1  }
0x202: {  	[bflag:$0x3] =	sbarrier.arrive $0xFFFF  }
0x203: {  	_ =	shalt  }

</sc_bundles>
